<compile_context>
chip_gen: v7x
topology: tpu7x:2x2x1
jax: 0.10.2.dev20260603
libtpu: 0.0.44.dev20260713+nightly
codegen_flags: <defaults>
</compile_context>

<pallas_src>
import functools

import jax
import jax.numpy as jnp
from jax import lax
from jax.experimental import pallas as pl
from jax.experimental.pallas import tpu as pltpu
from jax.experimental.pallas import tpu_sc as plsc

HIDDEN = 256
OUT_DIM = 384
BATCH = 16384
NUM_LANES = 16
LANE_GROUPS = HIDDEN // NUM_LANES
NUM_REL = 1000
RBINS = 1024

NC = 2
NS = 16
NW = NC * NS
B_PER_W = BATCH // NW
CHUNK = 64
NCHUNK = B_PER_W // CHUNK
NBUF = 4
RCOLS = BATCH // RBINS


def _sc_partial_sums(head_idx, node_emb):
  mesh = plsc.VectorSubcoreMesh(core_axis_name="c", subcore_axis_name="s")

  @functools.partial(
      pl.kernel,
      out_type=jax.ShapeDtypeStruct((NW, HIDDEN), jnp.float32),
      mesh=mesh,
      scratch_types=[
          pltpu.VMEM((NCHUNK // 2, 2 * CHUNK), jnp.int32),
          pltpu.VMEM((CHUNK, HIDDEN), jnp.float32),
          pltpu.VMEM((CHUNK, HIDDEN), jnp.float32),
          pltpu.VMEM((CHUNK, HIDDEN), jnp.float32),
          pltpu.VMEM((CHUNK, HIDDEN), jnp.float32),
          pltpu.VMEM((HIDDEN,), jnp.float32),
          pltpu.SemaphoreType.DMA,
          pltpu.SemaphoreType.DMA,
          pltpu.SemaphoreType.DMA,
          pltpu.SemaphoreType.DMA,
      ],
  )
  def sc_kernel(head_hbm, node_hbm, out_hbm,
                hidx_v, buf_0, buf_1, buf_2, buf_3, acc_v,
                sem_0, sem_1, sem_2, sem_3):
    wid = lax.axis_index("s") * NC + lax.axis_index("c")
    pltpu.sync_copy(head_hbm.at[wid], hidx_v)

    bufs = (buf_0, buf_1, buf_2, buf_3)
    sems = (sem_0, sem_1, sem_2, sem_3)

    acc = tuple(jnp.zeros((NUM_LANES,), jnp.float32)
                for _ in range(LANE_GROUPS))

    def accumulate(buf, acc):
      def body(r, acc):
        return tuple(acc[j] + buf[r, pl.ds(j * NUM_LANES, NUM_LANES)]
                     for j in range(LANE_GROUPS))
      return lax.fori_loop(0, CHUNK, body, acc)

    def idx_slice(i):
      return hidx_v.at[i // 2, pl.ds((i % 2) * CHUNK, CHUNK)]

    handles = []
    for i in range(NBUF - 1):
      handles.append(
          pltpu.async_copy(node_hbm.at[idx_slice(i)], bufs[i % NBUF],
                           sems[i % NBUF]))
    for i in range(NCHUNK):
      if i + NBUF - 1 < NCHUNK:
        handles.append(
            pltpu.async_copy(node_hbm.at[idx_slice(i + NBUF - 1)],
                             bufs[(i + NBUF - 1) % NBUF],
                             sems[(i + NBUF - 1) % NBUF]))
      handles[i].wait()
      acc = accumulate(bufs[i % NBUF], acc)

    for j in range(LANE_GROUPS):
      acc_v[pl.ds(j * NUM_LANES, NUM_LANES)] = acc[j]
    pltpu.sync_copy(acc_v, out_hbm.at[wid])

  return sc_kernel(head_idx, node_emb)


def _tc_rel_pool(rel_ids, rel_emb):
  def body(ids_ref, rel_ref, out_ref):
    bins = lax.broadcasted_iota(jnp.int32, (RBINS, RBINS), 0)
    cnt = jnp.zeros((RBINS, 1), jnp.float32)
    for t in range(RCOLS):
      row = ids_ref[t:t + 1, :]
      eq = (row == bins).astype(jnp.float32)
      cnt = cnt + jnp.sum(eq, axis=1, keepdims=True)
    out_ref[...] = lax.dot_general(
        cnt[:NUM_REL, :], rel_ref[...], (((0,), (0,)), ((), ())),
        preferred_element_type=jnp.float32)

  return pl.pallas_call(
      body,
      out_shape=jax.ShapeDtypeStruct((1, HIDDEN), jnp.float32),
  )(rel_ids, rel_emb)


def _tc_finish(partials, rel_pool, W, b):
  def body(part_ref, rel_ref, w_ref, b_ref, out_ref):
    pooled = (jnp.sum(part_ref[...], axis=0, keepdims=True)
              + rel_ref[...]) * (1.0 / BATCH)
    res = lax.dot_general(
        pooled, w_ref[...], (((1,), (1,)), ((), ())),
        preferred_element_type=jnp.float32)
    out_ref[...] = res[0] + b_ref[...]

  return pl.pallas_call(
      body,
      out_shape=jax.ShapeDtypeStruct((OUT_DIM,), jnp.float32),
  )(partials, rel_pool, W, b)


def kernel(head_index, rel_type, tail_index, node_emb, rel_emb, W, b):
  del tail_index
  h = head_index.astype(jnp.int32).reshape(NW, NCHUNK // 2, 2 * CHUNK)
  r2 = rel_type.astype(jnp.int32).reshape(RCOLS, RBINS)
  rel_pool = _tc_rel_pool(r2, rel_emb)
  partials = _sc_partial_sums(h, node_emb)
  return _tc_finish(partials, rel_pool, W, b)

# --- scband reference (transcript-rebuilt; emitter-appended) ---
"""Pipeline reference for scband-trans-eencoder-4346506904056 (READ-ONLY COPY).

The authoritative reference and input builder live on the scoring server;
editing this copy changes nothing except your own understanding.
"""

import jax, jax.numpy as jnp
import numpy as np

NUM_NODES = 1000000
NUM_RELATIONS = 1000
HIDDEN_DIM = 256
OUTPUT_DIM = 384
BATCH = 16384


def setup_inputs(seed: int = 0) -> dict:
    key = jax.random.key(seed)
    k1, k2, k3, k4, k5, k6 = jax.random.split(key, 6)
    head_index = jax.random.randint(k1, (BATCH,), 0, NUM_NODES, dtype=jnp.int64) if jax.config.jax_enable_x64 else jax.random.randint(k1, (BATCH,), 0, NUM_NODES)
    rel_type = jax.random.randint(k2, (BATCH,), 0, NUM_RELATIONS)
    tail_index = jax.random.randint(k3, (BATCH,), 0, NUM_NODES)
    # Learned parameters (TransE node/relation embeddings + output projection)
    node_emb = jax.random.normal(k4, (NUM_NODES, HIDDEN_DIM), dtype=jnp.float32) * 0.02
    rel_emb = jax.random.normal(k5, (NUM_RELATIONS, HIDDEN_DIM), dtype=jnp.float32) * 0.02
    W = jax.random.normal(k6, (OUTPUT_DIM, HIDDEN_DIM), dtype=jnp.float32) * 0.05
    b = jnp.zeros((OUTPUT_DIM,), dtype=jnp.float32)
    return {
        "head_index": head_index,
        "rel_type": rel_type,
        "tail_index": tail_index,
        "node_emb": node_emb,
        "rel_emb": rel_emb,
        "W": W,
        "b": b,
    }


def reference(head_index, rel_type, tail_index, node_emb, rel_emb, W, b):
    # Embedding lookups (gather) -- SparseCore-friendly
    head_e = jnp.take(node_emb, head_index, axis=0)   # [B, H]
    rel_e = jnp.take(rel_emb, rel_type, axis=0)       # [B, H]
    # TransE translation h + r, then mean pool over the batch of triples
    pooled = jnp.mean(head_e + rel_e, axis=0)         # [H]
    # Output projection (nn.Linear)
    out = pooled @ W.T + b                             # [OUTPUT_DIM]
    return out

if __name__ == "__main__":
    import jax
    _d = setup_inputs()
    print(jax.jit(kernel)(*tuple(_d.values())))

</pallas_src>

<mosaic_0001>
#map = affine_map<(d0, d1) -> (0, 0, 0)>
#map1 = affine_map<(d0, d1) -> (0, 0)>
module attributes {stable_mosaic.version = 14 : i64} {
  func.func @sc_kernel(%arg0: i32, %arg1: i32, %arg2: memref<32x4x128xi32, #tpu.memory_space<hbm>>, %arg3: memref<1000000x256xf32, #tpu.memory_space<hbm>>, %arg4: memref<32x256xf32, #tpu.memory_space<hbm>>, %arg5: memref<4x128xi32, #tpu.memory_space<vmem>>, %arg6: memref<64x256xf32, #tpu.memory_space<vmem>>, %arg7: memref<64x256xf32, #tpu.memory_space<vmem>>, %arg8: memref<64x256xf32, #tpu.memory_space<vmem>>, %arg9: memref<64x256xf32, #tpu.memory_space<vmem>>, %arg10: memref<256xf32, #tpu.memory_space<vmem>>, %arg11: memref<!tpu.dma_semaphore, #tpu.memory_space<semaphore_mem>>, %arg12: memref<!tpu.dma_semaphore, #tpu.memory_space<semaphore_mem>>, %arg13: memref<!tpu.dma_semaphore, #tpu.memory_space<semaphore_mem>>, %arg14: memref<!tpu.dma_semaphore, #tpu.memory_space<semaphore_mem>>) attributes {dimension_semantics = [#tpu.dimension_semantics<core_parallel>, #tpu.dimension_semantics<subcore_parallel>], iteration_bounds = array<i64: 2, 16>, scalar_prefetch = 0 : i64, scratch_operands = 10 : i64, tpu.core_type = #tpu.core_type<sc_vector_subcore>, window_params = [{transform_indices = #map}, {transform_indices = #map1}, {transform_indices = #map1}]} {
    %mul3A = arith.constant 2 : i32
    %mul3A_0 = arith.muli %arg1, %mul3A : i32
    %add3A = arith.addi %mul3A_0, %arg0 : i32
    "tpu.region"() ({
      %run_scoped3A = tpu.sem_alloc : memref<!tpu.dma_semaphore, #tpu.memory_space<semaphore_mem>>
      %dma_start3A_252 = arith.constant 0 : i32
      %dma_start3A_253 = arith.constant 0 : i32
      %dma_start3A_254 = tpu.memref_slice %arg2[%add3A, %dma_start3A_252, %dma_start3A_253] : memref<32x4x128xi32, #tpu.memory_space<hbm>> -> memref<1x4x128xi32, #tpu.memory_space<hbm>>
      %dma_start3A_255 = tpu.memref_squeeze %dma_start3A_254 : memref<1x4x128xi32, #tpu.memory_space<hbm>> -> memref<4x128xi32, #tpu.memory_space<hbm>>
      %dma_start3A_256 = arith.constant 0 : i32
      %dma_start3A_257 = arith.constant 0 : i32
      %dma_start3A_258 = tpu.memref_slice %arg2[%add3A, %dma_start3A_256, %dma_start3A_257] : memref<32x4x128xi32, #tpu.memory_space<hbm>> -> memref<1x4x128xi32, #tpu.memory_space<hbm>>
      %dma_start3A_259 = tpu.memref_squeeze %dma_start3A_258 : memref<1x4x128xi32, #tpu.memory_space<hbm>> -> memref<4x128xi32, #tpu.memory_space<hbm>>
      tpu.enqueue_dma source(%dma_start3A_259 : memref<4x128xi32, #tpu.memory_space<hbm>>) target(%arg5 : memref<4x128xi32, #tpu.memory_space<vmem>>) target_semaphore(%run_scoped3A : memref<!tpu.dma_semaphore, #tpu.memory_space<semaphore_mem>>)
      %dma_wait3A_260 = arith.constant 0 : i32
      %dma_wait3A_261 = arith.constant 0 : i32
      %dma_wait3A_262 = tpu.memref_slice %arg2[%add3A, %dma_wait3A_260, %dma_wait3A_261] : memref<32x4x128xi32, #tpu.memory_space<hbm>> -> memref<1x4x128xi32, #tpu.memory_space<hbm>>
      %dma_wait3A_263 = tpu.memref_squeeze %dma_wait3A_262 : memref<1x4x128xi32, #tpu.memory_space<hbm>> -> memref<4x128xi32, #tpu.memory_space<hbm>>
      %dma_wait3A_264 = arith.constant 0 : i32
      %dma_wait3A_265 = arith.constant 0 : i32
      %dma_wait3A_266 = tpu.memref_slice %arg2[%add3A, %dma_wait3A_264, %dma_wait3A_265] : memref<32x4x128xi32, #tpu.memory_space<hbm>> -> memref<1x4x128xi32, #tpu.memory_space<hbm>>
      %dma_wait3A_267 = tpu.memref_squeeze %dma_wait3A_266 : memref<1x4x128xi32, #tpu.memory_space<hbm>> -> memref<4x128xi32, #tpu.memory_space<hbm>>
      tpu.wait_dma2 semaphore(%run_scoped3A : memref<!tpu.dma_semaphore, #tpu.memory_space<semaphore_mem>>) src(%dma_wait3A_267 : memref<4x128xi32, #tpu.memory_space<hbm>>) dst(%arg5 : memref<4x128xi32, #tpu.memory_space<vmem>>)
      tpu.yield
    }) : () -> ()
    %broadcast_in_dim3A = arith.constant 0.000000e+00 : f32
    %broadcast_in_dim3A_1 = vector.broadcast %broadcast_in_dim3A : f32 to vector<16xf32>
    %broadcast_in_dim3A_2 = arith.constant 0.000000e+00 : f32
    %broadcast_in_dim3A_3 = vector.broadcast %broadcast_in_dim3A_2 : f32 to vector<16xf32>
    %broadcast_in_dim3A_4 = arith.constant 0.000000e+00 : f32
    %broadcast_in_dim3A_5 = vector.broadcast %broadcast_in_dim3A_4 : f32 to vector<16xf32>
    %broadcast_in_dim3A_6 = arith.constant 0.000000e+00 : f32
    %broadcast_in_dim3A_7 = vector.broadcast %broadcast_in_dim3A_6 : f32 to vector<16xf32>
    %broadcast_in_dim3A_8 = arith.constant 0.000000e+00 : f32
    %broadcast_in_dim3A_9 = vector.broadcast %broadcast_in_dim3A_8 : f32 to vector<16xf32>
    %broadcast_in_dim3A_10 = arith.constant 0.000000e+00 : f32
    %broadcast_in_dim3A_11 = vector.broadcast %broadcast_in_dim3A_10 : f32 to vector<16xf32>
    %broadcast_in_dim3A_12 = arith.constant 0.000000e+00 : f32
    %broadcast_in_dim3A_13 = vector.broadcast %broadcast_in_dim3A_12 : f32 to vector<16xf32>
    %broadcast_in_dim3A_14 = arith.constant 0.000000e+00 : f32
    %broadcast_in_dim3A_15 = vector.broadcast %broadcast_in_dim3A_14 : f32 to vector<16xf32>
    %broadcast_in_dim3A_16 = arith.constant 0.000000e+00 : f32
    %broadcast_in_dim3A_17 = vector.broadcast %broadcast_in_dim3A_16 : f32 to vector<16xf32>
    %broadcast_in_dim3A_18 = arith.constant 0.000000e+00 : f32
    %broadcast_in_dim3A_19 = vector.broadcast %broadcast_in_dim3A_18 : f32 to vector<16xf32>
    %broadcast_in_dim3A_20 = arith.constant 0.000000e+00 : f32
    %broadcast_in_dim3A_21 = vector.broadcast %broadcast_in_dim3A_20 : f32 to vector<16xf32>
    %broadcast_in_dim3A_22 = arith.constant 0.000000e+00 : f32
    %broadcast_in_dim3A_23 = vector.broadcast %broadcast_in_dim3A_22 : f32 to vector<16xf32>
    %broadcast_in_dim3A_24 = arith.constant 0.000000e+00 : f32
    %broadcast_in_dim3A_25 = vector.broadcast %broadcast_in_dim3A_24 : f32 to vector<16xf32>
    %broadcast_in_dim3A_26 = arith.constant 0.000000e+00 : f32
    %broadcast_in_dim3A_27 = vector.broadcast %broadcast_in_dim3A_26 : f32 to vector<16xf32>
    %broadcast_in_dim3A_28 = arith.constant 0.000000e+00 : f32
    %broadcast_in_dim3A_29 = vector.broadcast %broadcast_in_dim3A_28 : f32 to vector<16xf32>
    %broadcast_in_dim3A_30 = arith.constant 0.000000e+00 : f32
    %broadcast_in_dim3A_31 = vector.broadcast %broadcast_in_dim3A_30 : f32 to vector<16xf32>
    %dma_start3A = arith.constant 0 : i32
    %dma_start3A_32 = arith.constant 0 : i32
    %dma_start3A_33 = tpu.memref_slice %arg5[%dma_start3A, %dma_start3A_32] : memref<4x128xi32, #tpu.memory_space<vmem>> -> memref<1x64xi32, #tpu.memory_space<vmem>>
    %dma_start3A_34 = tpu.memref_squeeze %dma_start3A_33 : memref<1x64xi32, #tpu.memory_space<vmem>> -> memref<64xi32, #tpu.memory_space<vmem>>
    %dma_start3A_35 = arith.constant 0 : i32
    %dma_start3A_36 = arith.constant 0 : i32
    %dma_start3A_37 = tpu.memref_slice %arg3[%dma_start3A_35, %dma_start3A_36] : memref<1000000x256xf32, #tpu.memory_space<hbm>> -> memref<1000000x256xf32, #tpu.memory_space<hbm>>
    tpu.enqueue_indirect_dma source(%dma_start3A_37 : memref<1000000x256xf32, #tpu.memory_space<hbm>>) target(%arg6 : memref<64x256xf32, #tpu.memory_space<vmem>>) offsets(%dma_start3A_34 : memref<64xi32, #tpu.memory_space<vmem>>) semaphore(%arg11 : memref<!tpu.dma_semaphore, #tpu.memory_space<semaphore_mem>>)
    %dma_start3A_38 = arith.constant 0 : i32
    %dma_start3A_39 = arith.constant 64 : i32
    %dma_start3A_40 = tpu.memref_slice %arg5[%dma_start3A_38, %dma_start3A_39] : memref<4x128xi32, #tpu.memory_space<vmem>> -> memref<1x64xi32, #tpu.memory_space<vmem>>
    %dma_start3A_41 = tpu.memref_squeeze %dma_start3A_40 : memref<1x64xi32, #tpu.memory_space<vmem>> -> memref<64xi32, #tpu.memory_space<vmem>>
    %dma_start3A_42 = arith.constant 0 : i32
    %dma_start3A_43 = arith.constant 0 : i32
    %dma_start3A_44 = tpu.memref_slice %arg3[%dma_start3A_42, %dma_start3A_43] : memref<1000000x256xf32, #tpu.memory_space<hbm>> -> memref<1000000x256xf32, #tpu.memory_space<hbm>>
    tpu.enqueue_indirect_dma source(%dma_start3A_44 : memref<1000000x256xf32, #tpu.memory_space<hbm>>) target(%arg7 : memref<64x256xf32, #tpu.memory_space<vmem>>) offsets(%dma_start3A_41 : memref<64xi32, #tpu.memory_space<vmem>>) semaphore(%arg12 : memref<!tpu.dma_semaphore, #tpu.memory_space<semaphore_mem>>)
    %dma_start3A_45 = arith.constant 1 : i32
    %dma_start3A_46 = arith.constant 0 : i32
    %dma_start3A_47 = tpu.memref_slice %arg5[%dma_start3A_45, %dma_start3A_46] : memref<4x128xi32, #tpu.memory_space<vmem>> -> memref<1x64xi32, #tpu.memory_space<vmem>>
    %dma_start3A_48 = tpu.memref_squeeze %dma_start3A_47 : memref<1x64xi32, #tpu.memory_space<vmem>> -> memref<64xi32, #tpu.memory_space<vmem>>
    %dma_start3A_49 = arith.constant 0 : i32
    %dma_start3A_50 = arith.constant 0 : i32
    %dma_start3A_51 = tpu.memref_slice %arg3[%dma_start3A_49, %dma_start3A_50] : memref<1000000x256xf32, #tpu.memory_space<hbm>> -> memref<1000000x256xf32, #tpu.memory_space<hbm>>
    tpu.enqueue_indirect_dma source(%dma_start3A_51 : memref<1000000x256xf32, #tpu.memory_space<hbm>>) target(%arg8 : memref<64x256xf32, #tpu.memory_space<vmem>>) offsets(%dma_start3A_48 : memref<64xi32, #tpu.memory_space<vmem>>) semaphore(%arg13 : memref<!tpu.dma_semaphore, #tpu.memory_space<semaphore_mem>>)
    %dma_start3A_52 = arith.constant 1 : i32
    %dma_start3A_53 = arith.constant 64 : i32
    %dma_start3A_54 = tpu.memref_slice %arg5[%dma_start3A_52, %dma_start3A_53] : memref<4x128xi32, #tpu.memory_space<vmem>> -> memref<1x64xi32, #tpu.memory_space<vmem>>
    %dma_start3A_55 = tpu.memref_squeeze %dma_start3A_54 : memref<1x64xi32, #tpu.memory_space<vmem>> -> memref<64xi32, #tpu.memory_space<vmem>>
    %dma_start3A_56 = arith.constant 0 : i32
    %dma_start3A_57 = arith.constant 0 : i32
    %dma_start3A_58 = tpu.memref_slice %arg3[%dma_start3A_56, %dma_start3A_57] : memref<1000000x256xf32, #tpu.memory_space<hbm>> -> memref<1000000x256xf32, #tpu.memory_space<hbm>>
    tpu.enqueue_indirect_dma source(%dma_start3A_58 : memref<1000000x256xf32, #tpu.memory_space<hbm>>) target(%arg9 : memref<64x256xf32, #tpu.memory_space<vmem>>) offsets(%dma_start3A_55 : memref<64xi32, #tpu.memory_space<vmem>>) semaphore(%arg14 : memref<!tpu.dma_semaphore, #tpu.memory_space<semaphore_mem>>)
    %dma_wait3A = arith.constant 0 : i32
    %dma_wait3A_59 = arith.constant 0 : i32
    %dma_wait3A_60 = tpu.memref_slice %arg5[%dma_wait3A, %dma_wait3A_59] : memref<4x128xi32, #tpu.memory_space<vmem>> -> memref<1x64xi32, #tpu.memory_space<vmem>>
    %dma_wait3A_61 = tpu.memref_squeeze %dma_wait3A_60 : memref<1x64xi32, #tpu.memory_space<vmem>> -> memref<64xi32, #tpu.memory_space<vmem>>
    %dma_wait3A_62 = arith.constant 0 : i32
    %dma_wait3A_63 = arith.constant 0 : i32
    %dma_wait3A_64 = tpu.memref_slice %arg3[%dma_wait3A_62, %dma_wait3A_63] : memref<1000000x256xf32, #tpu.memory_space<hbm>> -> memref<1000000x256xf32, #tpu.memory_space<hbm>>
    tpu.wait_indirect_dma semaphore(%arg11 : memref<!tpu.dma_semaphore, #tpu.memory_space<semaphore_mem>>) src(%dma_wait3A_64 : memref<1000000x256xf32, #tpu.memory_space<hbm>>) dst(%arg6 : memref<64x256xf32, #tpu.memory_space<vmem>>)
    %scan3A = arith.constant 0 : i32
    %scan3A_65 = arith.constant 64 : i32
    %scan3A_66 = arith.addi %scan3A, %scan3A_65 : i32
    %scan3A_67 = arith.constant 1 : i32
    %scan3A_68:16 = scf.for %scan3A_252 = %scan3A to %scan3A_66 step %scan3A_67 iter_args(%scan3A_253 = %broadcast_in_dim3A_1, %scan3A_254 = %broadcast_in_dim3A_3, %scan3A_255 = %broadcast_in_dim3A_5, %scan3A_256 = %broadcast_in_dim3A_7, %scan3A_257 = %broadcast_in_dim3A_9, %scan3A_258 = %broadcast_in_dim3A_11, %scan3A_259 = %broadcast_in_dim3A_13, %scan3A_260 = %broadcast_in_dim3A_15, %scan3A_261 = %broadcast_in_dim3A_17, %scan3A_262 = %broadcast_in_dim3A_19, %scan3A_263 = %broadcast_in_dim3A_21, %scan3A_264 = %broadcast_in_dim3A_23, %scan3A_265 = %broadcast_in_dim3A_25, %scan3A_266 = %broadcast_in_dim3A_27, %scan3A_267 = %broadcast_in_dim3A_29, %scan3A_268 = %broadcast_in_dim3A_31) -> (vector<16xf32>, vector<16xf32>, vector<16xf32>, vector<16xf32>, vector<16xf32>, vector<16xf32>, vector<16xf32>, vector<16xf32>, vector<16xf32>, vector<16xf32>, vector<16xf32>, vector<16xf32>, vector<16xf32>, vector<16xf32>, vector<16xf32>, vector<16xf32>)  : i32 {
      %get3A = arith.index_cast %scan3A_252 : i32 to index
      %get3A_269 = arith.constant 0 : index
      %get3A_270 = tpu.vector_load %arg6[%get3A, %get3A_269] {strides = array<i32>} : memref<64x256xf32, #tpu.memory_space<vmem>>, vector<1x16xf32>,
      %get3A_271 = vector.shape_cast %get3A_270 : vector<1x16xf32> to vector<16xf32>
      %add3A_272 = arith.addf %scan3A_253, %get3A_271 : vector<16xf32>
      %get3A_273 = arith.index_cast %scan3A_252 : i32 to index
      %get3A_274 = arith.constant 16 : index
      %get3A_275 = tpu.vector_load %arg6[%get3A_273, %get3A_274] {strides = array<i32>} : memref<64x256xf32, #tpu.memory_space<vmem>>, vector<1x16xf32>,
      %get3A_276 = vector.shape_cast %get3A_275 : vector<1x16xf32> to vector<16xf32>
      %add3A_277 = arith.addf %scan3A_254, %get3A_276 : vector<16xf32>
      %get3A_278 = arith.index_cast %scan3A_252 : i32 to index
      %get3A_279 = arith.constant 32 : index
      %get3A_280 = tpu.vector_load %arg6[%get3A_278, %get3A_279] {strides = array<i32>} : memref<64x256xf32, #tpu.memory_space<vmem>>, vector<1x16xf32>,
      %get3A_281 = vector.shape_cast %get3A_280 : vector<1x16xf32> to vector<16xf32>
      %add3A_282 = arith.addf %scan3A_255, %get3A_281 : vector<16xf32>
      %get3A_283 = arith.index_cast %scan3A_252 : i32 to index
      %get3A_284 = arith.constant 48 : index
      %get3A_285 = tpu.vector_load %arg6[%get3A_283, %get3A_284] {strides = array<i32>} : memref<64x256xf32, #tpu.memory_space<vmem>>, vector<1x16xf32>,
      %get3A_286 = vector.shape_cast %get3A_285 : vector<1x16xf32> to vector<16xf32>
      %add3A_287 = arith.addf %scan3A_256, %get3A_286 : vector<16xf32>
      %get3A_288 = arith.index_cast %scan3A_252 : i32 to index
      %get3A_289 = arith.constant 64 : index
      %get3A_290 = tpu.vector_load %arg6[%get3A_288, %get3A_289] {strides = array<i32>} : memref<64x256xf32, #tpu.memory_space<vmem>>, vector<1x16xf32>,
      %get3A_291 = vector.shape_cast %get3A_290 : vector<1x16xf32> to vector<16xf32>
      %add3A_292 = arith.addf %scan3A_257, %get3A_291 : vector<16xf32>
      %get3A_293 = arith.index_cast %scan3A_252 : i32 to index
      %get3A_294 = arith.constant 80 : index
      %get3A_295 = tpu.vector_load %arg6[%get3A_293, %get3A_294] {strides = array<i32>} : memref<64x256xf32, #tpu.memory_space<vmem>>, vector<1x16xf32>,
      %get3A_296 = vector.shape_cast %get3A_295 : vector<1x16xf32> to vector<16xf32>
      %add3A_297 = arith.addf %scan3A_258, %get3A_296 : vector<16xf32>
      %get3A_298 = arith.index_cast %scan3A_252 : i32 to index
      %get3A_299 = arith.constant 96 : index
      %get3A_300 = tpu.vector_load %arg6[%get3A_298, %get3A_299] {strides = array<i32>} : memref<64x256xf32, #tpu.memory_space<vmem>>, vector<1x16xf32>,
      %get3A_301 = vector.shape_cast %get3A_300 : vector<1x16xf32> to vector<16xf32>
      %add3A_302 = arith.addf %scan3A_259, %get3A_301 : vector<16xf32>
      %get3A_303 = arith.index_cast %scan3A_252 : i32 to index
      %get3A_304 = arith.constant 112 : index
      %get3A_305 = tpu.vector_load %arg6[%get3A_303, %get3A_304] {strides = array<i32>} : memref<64x256xf32, #tpu.memory_space<vmem>>, vector<1x16xf32>,
      %get3A_306 = vector.shape_cast %get3A_305 : vector<1x16xf32> to vector<16xf32>
      %add3A_307 = arith.addf %scan3A_260, %get3A_306 : vector<16xf32>
      %get3A_308 = arith.index_cast %scan3A_252 : i32 to index
      %get3A_309 = arith.constant 128 : index
      %get3A_310 = tpu.vector_load %arg6[%get3A_308, %get3A_309] {strides = array<i32>} : memref<64x256xf32, #tpu.memory_space<vmem>>, vector<1x16xf32>,
      %get3A_311 = vector.shape_cast %get3A_310 : vector<1x16xf32> to vector<16xf32>
      %add3A_312 = arith.addf %scan3A_261, %get3A_311 : vector<16xf32>
      %get3A_313 = arith.index_cast %scan3A_252 : i32 to index
      %get3A_314 = arith.constant 144 : index
      %get3A_315 = tpu.vector_load %arg6[%get3A_313, %get3A_314] {strides = array<i32>} : memref<64x256xf32, #tpu.memory_space<vmem>>, vector<1x16xf32>,
      %get3A_316 = vector.shape_cast %get3A_315 : vector<1x16xf32> to vector<16xf32>
      %add3A_317 = arith.addf %scan3A_262, %get3A_316 : vector<16xf32>
      %get3A_318 = arith.index_cast %scan3A_252 : i32 to index
      %get3A_319 = arith.constant 160 : index
      %get3A_320 = tpu.vector_load %arg6[%get3A_318, %get3A_319] {strides = array<i32>} : memref<64x256xf32, #tpu.memory_space<vmem>>, vector<1x16xf32>,
      %get3A_321 = vector.shape_cast %get3A_320 : vector<1x16xf32> to vector<16xf32>
      %add3A_322 = arith.addf %scan3A_263, %get3A_321 : vector<16xf32>
      %get3A_323 = arith.index_cast %scan3A_252 : i32 to index
      %get3A_324 = arith.constant 176 : index
      %get3A_325 = tpu.vector_load %arg6[%get3A_323, %get3A_324] {strides = array<i32>} : memref<64x256xf32, #tpu.memory_space<vmem>>, vector<1x16xf32>,
      %get3A_326 = vector.shape_cast %get3A_325 : vector<1x16xf32> to vector<16xf32>
      %add3A_327 = arith.addf %scan3A_264, %get3A_326 : vector<16xf32>
      %get3A_328 = arith.index_cast %scan3A_252 : i32 to index
      %get3A_329 = arith.constant 192 : index
      %get3A_330 = tpu.vector_load %arg6[%get3A_328, %get3A_329] {strides = array<i32>} : memref<64x256xf32, #tpu.memory_space<vmem>>, vector<1x16xf32>,
      %get3A_331 = vector.shape_cast %get3A_330 : vector<1x16xf32> to vector<16xf32>
      %add3A_332 = arith.addf %scan3A_265, %get3A_331 : vector<16xf32>
      %get3A_333 = arith.index_cast %scan3A_252 : i32 to index
      %get3A_334 = arith.constant 208 : index
      %get3A_335 = tpu.vector_load %arg6[%get3A_333, %get3A_334] {strides = array<i32>} : memref<64x256xf32, #tpu.memory_space<vmem>>, vector<1x16xf32>,
      %get3A_336 = vector.shape_cast %get3A_335 : vector<1x16xf32> to vector<16xf32>
      %add3A_337 = arith.addf %scan3A_266, %get3A_336 : vector<16xf32>
      %get3A_338 = arith.index_cast %scan3A_252 : i32 to index
      %get3A_339 = arith.constant 224 : index
      %get3A_340 = tpu.vector_load %arg6[%get3A_338, %get3A_339] {strides = array<i32>} : memref<64x256xf32, #tpu.memory_space<vmem>>, vector<1x16xf32>,
      %get3A_341 = vector.shape_cast %get3A_340 : vector<1x16xf32> to vector<16xf32>
      %add3A_342 = arith.addf %scan3A_267, %get3A_341 : vector<16xf32>
      %get3A_343 = arith.index_cast %scan3A_252 : i32 to index
      %get3A_344 = arith.constant 240 : index
      %get3A_345 = tpu.vector_load %arg6[%get3A_343, %get3A_344] {strides = array<i32>} : memref<64x256xf32, #tpu.memory_space<vmem>>, vector<1x16xf32>,
      %get3A_346 = vector.shape_cast %get3A_345 : vector<1x16xf32> to vector<16xf32>
      %add3A_347 = arith.addf %scan3A_268, %get3A_346 : vector<16xf32>
      scf.yield %add3A_272, %add3A_277, %add3A_282, %add3A_287, %add3A_292, %add3A_297, %add3A_302, %add3A_307, %add3A_312, %add3A_317, %add3A_322, %add3A_327, %add3A_332, %add3A_337, %add3A_342, %add3A_347 : vector<16xf32>, vector<16xf32>, vector<16xf32>, vector<16xf32>, vector<16xf32>, vector<16xf32>, vector<16xf32>, vector<16xf32>, vector<16xf32>, vector<16xf32>, vector<16xf32>, vector<16xf32>, vector<16xf32>, vector<16xf32>, vector<16xf32>, vector<16xf32>
    }
    %scan3A_69 = arith.constant 64 : i32
    %dma_start3A_70 = arith.constant 2 : i32
    %dma_start3A_71 = arith.constant 0 : i32
    %dma_start3A_72 = tpu.memref_slice %arg5[%dma_start3A_70, %dma_start3A_71] : memref<4x128xi32, #tpu.memory_space<vmem>> -> memref<1x64xi32, #tpu.memory_space<vmem>>
    %dma_start3A_73 = tpu.memref_squeeze %dma_start3A_72 : memref<1x64xi32, #tpu.memory_space<vmem>> -> memref<64xi32, #tpu.memory_space<vmem>>
    %dma_start3A_74 = arith.constant 0 : i32
    %dma_start3A_75 = arith.constant 0 : i32
    %dma_start3A_76 = tpu.memref_slice %arg3[%dma_start3A_74, %dma_start3A_75] : memref<1000000x256xf32, #tpu.memory_space<hbm>> -> memref<1000000x256xf32, #tpu.memory_space<hbm>>
    tpu.enqueue_indirect_dma source(%dma_start3A_76 : memref<1000000x256xf32, #tpu.memory_space<hbm>>) target(%arg6 : memref<64x256xf32, #tpu.memory_space<vmem>>) offsets(%dma_start3A_73 : memref<64xi32, #tpu.memory_space<vmem>>) semaphore(%arg11 : memref<!tpu.dma_semaphore, #tpu.memory_space<semaphore_mem>>)
    %dma_wait3A_77 = arith.constant 0 : i32
    %dma_wait3A_78 = arith.constant 64 : i32
    %dma_wait3A_79 = tpu.memref_slice %arg5[%dma_wait3A_77, %dma_wait3A_78] : memref<4x128xi32, #tpu.memory_space<vmem>> -> memref<1x64xi32, #tpu.memory_space<vmem>>
    %dma_wait3A_80 = tpu.memref_squeeze %dma_wait3A_79 : memref<1x64xi32, #tpu.memory_space<vmem>> -> memref<64xi32, #tpu.memory_space<vmem>>
    %dma_wait3A_81 = arith.constant 0 : i32
    %dma_wait3A_82 = arith.constant 0 : i32
    %dma_wait3A_83 = tpu.memref_slice %arg3[%dma_wait3A_81, %dma_wait3A_82] : memref<1000000x256xf32, #tpu.memory_space<hbm>> -> memref<1000000x256xf32, #tpu.memory_space<hbm>>
    tpu.wait_indirect_dma semaphore(%arg12 : memref<!tpu.dma_semaphore, #tpu.memory_space<semaphore_mem>>) src(%dma_wait3A_83 : memref<1000000x256xf32, #tpu.memory_space<hbm>>) dst(%arg7 : memref<64x256xf32, #tpu.memory_space<vmem>>)
    %scan3A_84 = arith.constant 0 : i32
    %scan3A_85 = arith.constant 64 : i32
    %scan3A_86 = arith.addi %scan3A_84, %scan3A_85 : i32
    %scan3A_87 = arith.constant 1 : i32
    %scan3A_88:16 = scf.for %scan3A_252 = %scan3A_84 to %scan3A_86 step %scan3A_87 iter_args(%scan3A_253 = %scan3A_68#0, %scan3A_254 = %scan3A_68#1, %scan3A_255 = %scan3A_68#2, %scan3A_256 = %scan3A_68#3, %scan3A_257 = %scan3A_68#4, %scan3A_258 = %scan3A_68#5, %scan3A_259 = %scan3A_68#6, %scan3A_260 = %scan3A_68#7, %scan3A_261 = %scan3A_68#8, %scan3A_262 = %scan3A_68#9, %scan3A_263 = %scan3A_68#10, %scan3A_264 = %scan3A_68#11, %scan3A_265 = %scan3A_68#12, %scan3A_266 = %scan3A_68#13, %scan3A_267 = %scan3A_68#14, %scan3A_268 = %scan3A_68#15) -> (vector<16xf32>, vector<16xf32>, vector<16xf32>, vector<16xf32>, vector<16xf32>, vector<16xf32>, vector<16xf32>, vector<16xf32>, vector<16xf32>, vector<16xf32>, vector<16xf32>, vector<16xf32>, vector<16xf32>, vector<16xf32>, vector<16xf32>, vector<16xf32>)  : i32 {
      %get3A = arith.index_cast %scan3A_252 : i32 to index
      %get3A_269 = arith.constant 0 : index
      %get3A_270 = tpu.vector_load %arg7[%get3A, %get3A_269] {strides = array<i32>} : memref<64x256xf32, #tpu.memory_space<vmem>>, vector<1x16xf32>,
      %get3A_271 = vector.shape_cast %get3A_270 : vector<1x16xf32> to vector<16xf32>
      %add3A_272 = arith.addf %scan3A_253, %get3A_271 : vector<16xf32>
      %get3A_273 = arith.index_cast %scan3A_252 : i32 to index
      %get3A_274 = arith.constant 16 : index
      %get3A_275 = tpu.vector_load %arg7[%get3A_273, %get3A_274] {strides = array<i32>} : memref<64x256xf32, #tpu.memory_space<vmem>>, vector<1x16xf32>,
      %get3A_276 = vector.shape_cast %get3A_275 : vector<1x16xf32> to vector<16xf32>
      %add3A_277 = arith.addf %scan3A_254, %get3A_276 : vector<16xf32>
      %get3A_278 = arith.index_cast %scan3A_252 : i32 to index
      %get3A_279 = arith.constant 32 : index
      %get3A_280 = tpu.vector_load %arg7[%get3A_278, %get3A_279] {strides = array<i32>} : memref<64x256xf32, #tpu.memory_space<vmem>>, vector<1x16xf32>,
      %get3A_281 = vector.shape_cast %get3A_280 : vector<1x16xf32> to vector<16xf32>
      %add3A_282 = arith.addf %scan3A_255, %get3A_281 : vector<16xf32>
      %get3A_283 = arith.index_cast %scan3A_252 : i32 to index
      %get3A_284 = arith.constant 48 : index
      %get3A_285 = tpu.vector_load %arg7[%get3A_283, %get3A_284] {strides = array<i32>} : memref<64x256xf32, #tpu.memory_space<vmem>>, vector<1x16xf32>,
      %get3A_286 = vector.shape_cast %get3A_285 : vector<1x16xf32> to vector<16xf32>
      %add3A_287 = arith.addf %scan3A_256, %get3A_286 : vector<16xf32>
      %get3A_288 = arith.index_cast %scan3A_252 : i32 to index
      %get3A_289 = arith.constant 64 : index
      %get3A_290 = tpu.vector_load %arg7[%get3A_288, %get3A_289] {strides = array<i32>} : memref<64x256xf32, #tpu.memory_space<vmem>>, vector<1x16xf32>,
      %get3A_291 = vector.shape_cast %get3A_290 : vector<1x16xf32> to vector<16xf32>
      %add3A_292 = arith.addf %scan3A_257, %get3A_291 : vector<16xf32>
      %get3A_293 = arith.index_cast %scan3A_252 : i32 to index
      %get3A_294 = arith.constant 80 : index
      %get3A_295 = tpu.vector_load %arg7[%get3A_293, %get3A_294] {strides = array<i32>} : memref<64x256xf32, #tpu.memory_space<vmem>>, vector<1x16xf32>,
      %get3A_296 = vector.shape_cast %get3A_295 : vector<1x16xf32> to vector<16xf32>
      %add3A_297 = arith.addf %scan3A_258, %get3A_296 : vector<16xf32>
      %get3A_298 = arith.index_cast %scan3A_252 : i32 to index
      %get3A_299 = arith.constant 96 : index
      %get3A_300 = tpu.vector_load %arg7[%get3A_298, %get3A_299] {strides = array<i32>} : memref<64x256xf32, #tpu.memory_space<vmem>>, vector<1x16xf32>,
      %get3A_301 = vector.shape_cast %get3A_300 : vector<1x16xf32> to vector<16xf32>
      %add3A_302 = arith.addf %scan3A_259, %get3A_301 : vector<16xf32>
      %get3A_303 = arith.index_cast %scan3A_252 : i32 to index
      %get3A_304 = arith.constant 112 : index
      %get3A_305 = tpu.vector_load %arg7[%get3A_303, %get3A_304] {strides = array<i32>} : memref<64x256xf32, #tpu.memory_space<vmem>>, vector<1x16xf32>,
      %get3A_306 = vector.shape_cast %get3A_305 : vector<1x16xf32> to vector<16xf32>
      %add3A_307 = arith.addf %scan3A_260, %get3A_306 : vector<16xf32>
      %get3A_308 = arith.index_cast %scan3A_252 : i32 to index
      %get3A_309 = arith.constant 128 : index
      %get3A_310 = tpu.vector_load %arg7[%get3A_308, %get3A_309] {strides = array<i32>} : memref<64x256xf32, #tpu.memory_space<vmem>>, vector<1x16xf32>,
      %get3A_311 = vector.shape_cast %get3A_310 : vector<1x16xf32> to vector<16xf32>
      %add3A_312 = arith.addf %scan3A_261, %get3A_311 : vector<16xf32>
      %get3A_313 = arith.index_cast %scan3A_252 : i32 to index
      %get3A_314 = arith.constant 144 : index
      %get3A_315 = tpu.vector_load %arg7[%get3A_313, %get3A_314] {strides = array<i32>} : memref<64x256xf32, #tpu.memory_space<vmem>>, vector<1x16xf32>,
      %get3A_316 = vector.shape_cast %get3A_315 : vector<1x16xf32> to vector<16xf32>
      %add3A_317 = arith.addf %scan3A_262, %get3A_316 : vector<16xf32>
      %get3A_318 = arith.index_cast %scan3A_252 : i32 to index
      %get3A_319 = arith.constant 160 : index
      %get3A_320 = tpu.vector_load %arg7[%get3A_318, %get3A_319] {strides = array<i32>} : memref<64x256xf32, #tpu.memory_space<vmem>>, vector<1x16xf32>,
      %get3A_321 = vector.shape_cast %get3A_320 : vector<1x16xf32> to vector<16xf32>
      %add3A_322 = arith.addf %scan3A_263, %get3A_321 : vector<16xf32>
      %get3A_323 = arith.index_cast %scan3A_252 : i32 to index
      %get3A_324 = arith.constant 176 : index
      %get3A_325 = tpu.vector_load %arg7[%get3A_323, %get3A_324] {strides = array<i32>} : memref<64x256xf32, #tpu.memory_space<vmem>>, vector<1x16xf32>,
      %get3A_326 = vector.shape_cast %get3A_325 : vector<1x16xf32> to vector<16xf32>
      %add3A_327 = arith.addf %scan3A_264, %get3A_326 : vector<16xf32>
      %get3A_328 = arith.index_cast %scan3A_252 : i32 to index
      %get3A_329 = arith.constant 192 : index
      %get3A_330 = tpu.vector_load %arg7[%get3A_328, %get3A_329] {strides = array<i32>} : memref<64x256xf32, #tpu.memory_space<vmem>>, vector<1x16xf32>,
      %get3A_331 = vector.shape_cast %get3A_330 : vector<1x16xf32> to vector<16xf32>
      %add3A_332 = arith.addf %scan3A_265, %get3A_331 : vector<16xf32>
      %get3A_333 = arith.index_cast %scan3A_252 : i32 to index
      %get3A_334 = arith.constant 208 : index
      %get3A_335 = tpu.vector_load %arg7[%get3A_333, %get3A_334] {strides = array<i32>} : memref<64x256xf32, #tpu.memory_space<vmem>>, vector<1x16xf32>,
      %get3A_336 = vector.shape_cast %get3A_335 : vector<1x16xf32> to vector<16xf32>
      %add3A_337 = arith.addf %scan3A_266, %get3A_336 : vector<16xf32>
      %get3A_338 = arith.index_cast %scan3A_252 : i32 to index
      %get3A_339 = arith.constant 224 : index
      %get3A_340 = tpu.vector_load %arg7[%get3A_338, %get3A_339] {strides = array<i32>} : memref<64x256xf32, #tpu.memory_space<vmem>>, vector<1x16xf32>,
      %get3A_341 = vector.shape_cast %get3A_340 : vector<1x16xf32> to vector<16xf32>
      %add3A_342 = arith.addf %scan3A_267, %get3A_341 : vector<16xf32>
      %get3A_343 = arith.index_cast %scan3A_252 : i32 to index
      %get3A_344 = arith.constant 240 : index
      %get3A_345 = tpu.vector_load %arg7[%get3A_343, %get3A_344] {strides = array<i32>} : memref<64x256xf32, #tpu.memory_space<vmem>>, vector<1x16xf32>,
      %get3A_346 = vector.shape_cast %get3A_345 : vector<1x16xf32> to vector<16xf32>
      %add3A_347 = arith.addf %scan3A_268, %get3A_346 : vector<16xf32>
      scf.yield %add3A_272, %add3A_277, %add3A_282, %add3A_287, %add3A_292, %add3A_297, %add3A_302, %add3A_307, %add3A_312, %add3A_317, %add3A_322, %add3A_327, %add3A_332, %add3A_337, %add3A_342, %add3A_347 : vector<16xf32>, vector<16xf32>, vector<16xf32>, vector<16xf32>, vector<16xf32>, vector<16xf32>, vector<16xf32>, vector<16xf32>, vector<16xf32>, vector<16xf32>, vector<16xf32>, vector<16xf32>, vector<16xf32>, vector<16xf32>, vector<16xf32>, vector<16xf32>
    }
    %scan3A_89 = arith.constant 64 : i32
    %dma_start3A_90 = arith.constant 2 : i32
    %dma_start3A_91 = arith.constant 64 : i32
    %dma_start3A_92 = tpu.memref_slice %arg5[%dma_start3A_90, %dma_start3A_91] : memref<4x128xi32, #tpu.memory_space<vmem>> -> memref<1x64xi32, #tpu.memory_space<vmem>>
    %dma_start3A_93 = tpu.memref_squeeze %dma_start3A_92 : memref<1x64xi32, #tpu.memory_space<vmem>> -> memref<64xi32, #tpu.memory_space<vmem>>
    %dma_start3A_94 = arith.constant 0 : i32
    %dma_start3A_95 = arith.constant 0 : i32
    %dma_start3A_96 = tpu.memref_slice %arg3[%dma_start3A_94, %dma_start3A_95] : memref<1000000x256xf32, #tpu.memory_space<hbm>> -> memref<1000000x256xf32, #tpu.memory_space<hbm>>
    tpu.enqueue_indirect_dma source(%dma_start3A_96 : memref<1000000x256xf32, #tpu.memory_space<hbm>>) target(%arg7 : memref<64x256xf32, #tpu.memory_space<vmem>>) offsets(%dma_start3A_93 : memref<64xi32, #tpu.memory_space<vmem>>) semaphore(%arg12 : memref<!tpu.dma_semaphore, #tpu.memory_space<semaphore_mem>>)
    %dma_wait3A_97 = arith.constant 1 : i32
    %dma_wait3A_98 = arith.constant 0 : i32
    %dma_wait3A_99 = tpu.memref_slice %arg5[%dma_wait3A_97, %dma_wait3A_98] : memref<4x128xi32, #tpu.memory_space<vmem>> -> memref<1x64xi32, #tpu.memory_space<vmem>>
    %dma_wait3A_100 = tpu.memref_squeeze %dma_wait3A_99 : memref<1x64xi32, #tpu.memory_space<vmem>> -> memref<64xi32, #tpu.memory_space<vmem>>
    %dma_wait3A_101 = arith.constant 0 : i32
    %dma_wait3A_102 = arith.constant 0 : i32
    %dma_wait3A_103 = tpu.memref_slice %arg3[%dma_wait3A_101, %dma_wait3A_102] : memref<1000000x256xf32, #tpu.memory_space<hbm>> -> memref<1000000x256xf32, #tpu.memory_space<hbm>>
    tpu.wait_indirect_dma semaphore(%arg13 : memref<!tpu.dma_semaphore, #tpu.memory_space<semaphore_mem>>) src(%dma_wait3A_103 : memref<1000000x256xf32, #tpu.memory_space<hbm>>) dst(%arg8 : memref<64x256xf32, #tpu.memory_space<vmem>>)
    %scan3A_104 = arith.constant 0 : i32
    %scan3A_105 = arith.constant 64 : i32
    %scan3A_106 = arith.addi %scan3A_104, %scan3A_105 : i32
    %scan3A_107 = arith.constant 1 : i32
    %scan3A_108:16 = scf.for %scan3A_252 = %scan3A_104 to %scan3A_106 step %scan3A_107 iter_args(%scan3A_253 = %scan3A_88#0, %scan3A_254 = %scan3A_88#1, %scan3A_255 = %scan3A_88#2, %scan3A_256 = %scan3A_88#3, %scan3A_257 = %scan3A_88#4, %scan3A_258 = %scan3A_88#5, %scan3A_259 = %scan3A_88#6, %scan3A_260 = %scan3A_88#7, %scan3A_261 = %scan3A_88#8, %scan3A_262 = %scan3A_88#9, %scan3A_263 = %scan3A_88#10, %scan3A_264 = %scan3A_88#11, %scan3A_265 = %scan3A_88#12, %scan3A_266 = %scan3A_88#13, %scan3A_267 = %scan3A_88#14, %scan3A_268 = %scan3A_88#15) -> (vector<16xf32>, vector<16xf32>, vector<16xf32>, vector<16xf32>, vector<16xf32>, vector<16xf32>, vector<16xf32>, vector<16xf32>, vector<16xf32>, vector<16xf32>, vector<16xf32>, vector<16xf32>, vector<16xf32>, vector<16xf32>, vector<16xf32>, vector<16xf32>)  : i32 {
      %get3A = arith.index_cast %scan3A_252 : i32 to index
      %get3A_269 = arith.constant 0 : index
      %get3A_270 = tpu.vector_load %arg8[%get3A, %get3A_269] {strides = array<i32>} : memref<64x256xf32, #tpu.memory_space<vmem>>, vector<1x16xf32>,
      %get3A_271 = vector.shape_cast %get3A_270 : vector<1x16xf32> to vector<16xf32>
      %add3A_272 = arith.addf %scan3A_253, %get3A_271 : vector<16xf32>
      %get3A_273 = arith.index_cast %scan3A_252 : i32 to index
      %get3A_274 = arith.constant 16 : index
      %get3A_275 = tpu.vector_load %arg8[%get3A_273, %get3A_274] {strides = array<i32>} : memref<64x256xf32, #tpu.memory_space<vmem>>, vector<1x16xf32>,
      %get3A_276 = vector.shape_cast %get3A_275 : vector<1x16xf32> to vector<16xf32>
      %add3A_277 = arith.addf %scan3A_254, %get3A_276 : vector<16xf32>
      %get3A_278 = arith.index_cast %scan3A_252 : i32 to index
      %get3A_279 = arith.constant 32 : index
      %get3A_280 = tpu.vector_load %arg8[%get3A_278, %get3A_279] {strides = array<i32>} : memref<64x256xf32, #tpu.memory_space<vmem>>, vector<1x16xf32>,
      %get3A_281 = vector.shape_cast %get3A_280 : vector<1x16xf32> to vector<16xf32>
      %add3A_282 = arith.addf %scan3A_255, %get3A_281 : vector<16xf32>
      %get3A_283 = arith.index_cast %scan3A_252 : i32 to index
      %get3A_284 = arith.constant 48 : index
      %get3A_285 = tpu.vector_load %arg8[%get3A_283, %get3A_284] {strides = array<i32>} : memref<64x256xf32, #tpu.memory_space<vmem>>, vector<1x16xf32>,
      %get3A_286 = vector.shape_cast %get3A_285 : vector<1x16xf32> to vector<16xf32>
      %add3A_287 = arith.addf %scan3A_256, %get3A_286 : vector<16xf32>
      %get3A_288 = arith.index_cast %scan3A_252 : i32 to index
      %get3A_289 = arith.constant 64 : index
      %get3A_290 = tpu.vector_load %arg8[%get3A_288, %get3A_289] {strides = array<i32>} : memref<64x256xf32, #tpu.memory_space<vmem>>, vector<1x16xf32>,
      %get3A_291 = vector.shape_cast %get3A_290 : vector<1x16xf32> to vector<16xf32>
      %add3A_292 = arith.addf %scan3A_257, %get3A_291 : vector<16xf32>
      %get3A_293 = arith.index_cast %scan3A_252 : i32 to index
      %get3A_294 = arith.constant 80 : index
      %get3A_295 = tpu.vector_load %arg8[%get3A_293, %get3A_294] {strides = array<i32>} : memref<64x256xf32, #tpu.memory_space<vmem>>, vector<1x16xf32>,
      %get3A_296 = vector.shape_cast %get3A_295 : vector<1x16xf32> to vector<16xf32>
      %add3A_297 = arith.addf %scan3A_258, %get3A_296 : vector<16xf32>
      %get3A_298 = arith.index_cast %scan3A_252 : i32 to index
      %get3A_299 = arith.constant 96 : index
      %get3A_300 = tpu.vector_load %arg8[%get3A_298, %get3A_299] {strides = array<i32>} : memref<64x256xf32, #tpu.memory_space<vmem>>, vector<1x16xf32>,
      %get3A_301 = vector.shape_cast %get3A_300 : vector<1x16xf32> to vector<16xf32>
      %add3A_302 = arith.addf %scan3A_259, %get3A_301 : vector<16xf32>
      %get3A_303 = arith.index_cast %scan3A_252 : i32 to index
      %get3A_304 = arith.constant 112 : index
      %get3A_305 = tpu.vector_load %arg8[%get3A_303, %get3A_304] {strides = array<i32>} : memref<64x256xf32, #tpu.memory_space<vmem>>, vector<1x16xf32>,
      %get3A_306 = vector.shape_cast %get3A_305 : vector<1x16xf32> to vector<16xf32>
      %add3A_307 = arith.addf %scan3A_260, %get3A_306 : vector<16xf32>
      %get3A_308 = arith.index_cast %scan3A_252 : i32 to index
      %get3A_309 = arith.constant 128 : index
      %get3A_310 = tpu.vector_load %arg8[%get3A_308, %get3A_309] {strides = array<i32>} : memref<64x256xf32, #tpu.memory_space<vmem>>, vector<1x16xf32>,
      %get3A_311 = vector.shape_cast %get3A_310 : vector<1x16xf32> to vector<16xf32>
      %add3A_312 = arith.addf %scan3A_261, %get3A_311 : vector<16xf32>
      %get3A_313 = arith.index_cast %scan3A_252 : i32 to index
      %get3A_314 = arith.constant 144 : index
      %get3A_315 = tpu.vector_load %arg8[%get3A_313, %get3A_314] {strides = array<i32>} : memref<64x256xf32, #tpu.memory_space<vmem>>, vector<1x16xf32>,
      %get3A_316 = vector.shape_cast %get3A_315 : vector<1x16xf32> to vector<16xf32>
      %add3A_317 = arith.addf %scan3A_262, %get3A_316 : vector<16xf32>
      %get3A_318 = arith.index_cast %scan3A_252 : i32 to index
      %get3A_319 = arith.constant 160 : index
      %get3A_320 = tpu.vector_load %arg8[%get3A_318, %get3A_319] {strides = array<i32>} : memref<64x256xf32, #tpu.memory_space<vmem>>, vector<1x16xf32>,
      %get3A_321 = vector.shape_cast %get3A_320 : vector<1x16xf32> to vector<16xf32>
      %add3A_322 = arith.addf %scan3A_263, %get3A_321 : vector<16xf32>
      %get3A_323 = arith.index_cast %scan3A_252 : i32 to index
      %get3A_324 = arith.constant 176 : index
      %get3A_325 = tpu.vector_load %arg8[%get3A_323, %get3A_324] {strides = array<i32>} : memref<64x256xf32, #tpu.memory_space<vmem>>, vector<1x16xf32>,
      %get3A_326 = vector.shape_cast %get3A_325 : vector<1x16xf32> to vector<16xf32>
      %add3A_327 = arith.addf %scan3A_264, %get3A_326 : vector<16xf32>
      %get3A_328 = arith.index_cast %scan3A_252 : i32 to index
      %get3A_329 = arith.constant 192 : index
      %get3A_330 = tpu.vector_load %arg8[%get3A_328, %get3A_329] {strides = array<i32>} : memref<64x256xf32, #tpu.memory_space<vmem>>, vector<1x16xf32>,
      %get3A_331 = vector.shape_cast %get3A_330 : vector<1x16xf32> to vector<16xf32>
      %add3A_332 = arith.addf %scan3A_265, %get3A_331 : vector<16xf32>
      %get3A_333 = arith.index_cast %scan3A_252 : i32 to index
      %get3A_334 = arith.constant 208 : index
      %get3A_335 = tpu.vector_load %arg8[%get3A_333, %get3A_334] {strides = array<i32>} : memref<64x256xf32, #tpu.memory_space<vmem>>, vector<1x16xf32>,
      %get3A_336 = vector.shape_cast %get3A_335 : vector<1x16xf32> to vector<16xf32>
      %add3A_337 = arith.addf %scan3A_266, %get3A_336 : vector<16xf32>
      %get3A_338 = arith.index_cast %scan3A_252 : i32 to index
      %get3A_339 = arith.constant 224 : index
      %get3A_340 = tpu.vector_load %arg8[%get3A_338, %get3A_339] {strides = array<i32>} : memref<64x256xf32, #tpu.memory_space<vmem>>, vector<1x16xf32>,
      %get3A_341 = vector.shape_cast %get3A_340 : vector<1x16xf32> to vector<16xf32>
      %add3A_342 = arith.addf %scan3A_267, %get3A_341 : vector<16xf32>
      %get3A_343 = arith.index_cast %scan3A_252 : i32 to index
      %get3A_344 = arith.constant 240 : index
      %get3A_345 = tpu.vector_load %arg8[%get3A_343, %get3A_344] {strides = array<i32>} : memref<64x256xf32, #tpu.memory_space<vmem>>, vector<1x16xf32>,
      %get3A_346 = vector.shape_cast %get3A_345 : vector<1x16xf32> to vector<16xf32>
      %add3A_347 = arith.addf %scan3A_268, %get3A_346 : vector<16xf32>
      scf.yield %add3A_272, %add3A_277, %add3A_282, %add3A_287, %add3A_292, %add3A_297, %add3A_302, %add3A_307, %add3A_312, %add3A_317, %add3A_322, %add3A_327, %add3A_332, %add3A_337, %add3A_342, %add3A_347 : vector<16xf32>, vector<16xf32>, vector<16xf32>, vector<16xf32>, vector<16xf32>, vector<16xf32>, vector<16xf32>, vector<16xf32>, vector<16xf32>, vector<16xf32>, vector<16xf32>, vector<16xf32>, vector<16xf32>, vector<16xf32>, vector<16xf32>, vector<16xf32>
    }
    %scan3A_109 = arith.constant 64 : i32
    %dma_start3A_110 = arith.constant 3 : i32
    %dma_start3A_111 = arith.constant 0 : i32
    %dma_start3A_112 = tpu.memref_slice %arg5[%dma_start3A_110, %dma_start3A_111] : memref<4x128xi32, #tpu.memory_space<vmem>> -> memref<1x64xi32, #tpu.memory_space<vmem>>
    %dma_start3A_113 = tpu.memref_squeeze %dma_start3A_112 : memref<1x64xi32, #tpu.memory_space<vmem>> -> memref<64xi32, #tpu.memory_space<vmem>>
    %dma_start3A_114 = arith.constant 0 : i32
    %dma_start3A_115 = arith.constant 0 : i32
    %dma_start3A_116 = tpu.memref_slice %arg3[%dma_start3A_114, %dma_start3A_115] : memref<1000000x256xf32, #tpu.memory_space<hbm>> -> memref<1000000x256xf32, #tpu.memory_space<hbm>>
    tpu.enqueue_indirect_dma source(%dma_start3A_116 : memref<1000000x256xf32, #tpu.memory_space<hbm>>) target(%arg8 : memref<64x256xf32, #tpu.memory_space<vmem>>) offsets(%dma_start3A_113 : memref<64xi32, #tpu.memory_space<vmem>>) semaphore(%arg13 : memref<!tpu.dma_semaphore, #tpu.memory_space<semaphore_mem>>)
    %dma_wait3A_117 = arith.constant 1 : i32
    %dma_wait3A_118 = arith.constant 64 : i32
    %dma_wait3A_119 = tpu.memref_slice %arg5[%dma_wait3A_117, %dma_wait3A_118] : memref<4x128xi32, #tpu.memory_space<vmem>> -> memref<1x64xi32, #tpu.memory_space<vmem>>
    %dma_wait3A_120 = tpu.memref_squeeze %dma_wait3A_119 : memref<1x64xi32, #tpu.memory_space<vmem>> -> memref<64xi32, #tpu.memory_space<vmem>>
    %dma_wait3A_121 = arith.constant 0 : i32
    %dma_wait3A_122 = arith.constant 0 : i32
    %dma_wait3A_123 = tpu.memref_slice %arg3[%dma_wait3A_121, %dma_wait3A_122] : memref<1000000x256xf32, #tpu.memory_space<hbm>> -> memref<1000000x256xf32, #tpu.memory_space<hbm>>
    tpu.wait_indirect_dma semaphore(%arg14 : memref<!tpu.dma_semaphore, #tpu.memory_space<semaphore_mem>>) src(%dma_wait3A_123 : memref<1000000x256xf32, #tpu.memory_space<hbm>>) dst(%arg9 : memref<64x256xf32, #tpu.memory_space<vmem>>)
    %scan3A_124 = arith.constant 0 : i32
    %scan3A_125 = arith.constant 64 : i32
    %scan3A_126 = arith.addi %scan3A_124, %scan3A_125 : i32
    %scan3A_127 = arith.constant 1 : i32
    %scan3A_128:16 = scf.for %scan3A_252 = %scan3A_124 to %scan3A_126 step %scan3A_127 iter_args(%scan3A_253 = %scan3A_108#0, %scan3A_254 = %scan3A_108#1, %scan3A_255 = %scan3A_108#2, %scan3A_256 = %scan3A_108#3, %scan3A_257 = %scan3A_108#4, %scan3A_258 = %scan3A_108#5, %scan3A_259 = %scan3A_108#6, %scan3A_260 = %scan3A_108#7, %scan3A_261 = %scan3A_108#8, %scan3A_262 = %scan3A_108#9, %scan3A_263 = %scan3A_108#10, %scan3A_264 = %scan3A_108#11, %scan3A_265 = %scan3A_108#12, %scan3A_266 = %scan3A_108#13, %scan3A_267 = %scan3A_108#14, %scan3A_268 = %scan3A_108#15) -> (vector<16xf32>, vector<16xf32>, vector<16xf32>, vector<16xf32>, vector<16xf32>, vector<16xf32>, vector<16xf32>, vector<16xf32>, vector<16xf32>, vector<16xf32>, vector<16xf32>, vector<16xf32>, vector<16xf32>, vector<16xf32>, vector<16xf32>, vector<16xf32>)  : i32 {
      %get3A = arith.index_cast %scan3A_252 : i32 to index
      %get3A_269 = arith.constant 0 : index
      %get3A_270 = tpu.vector_load %arg9[%get3A, %get3A_269] {strides = array<i32>} : memref<64x256xf32, #tpu.memory_space<vmem>>, vector<1x16xf32>,
      %get3A_271 = vector.shape_cast %get3A_270 : vector<1x16xf32> to vector<16xf32>
      %add3A_272 = arith.addf %scan3A_253, %get3A_271 : vector<16xf32>
      %get3A_273 = arith.index_cast %scan3A_252 : i32 to index
      %get3A_274 = arith.constant 16 : index
      %get3A_275 = tpu.vector_load %arg9[%get3A_273, %get3A_274] {strides = array<i32>} : memref<64x256xf32, #tpu.memory_space<vmem>>, vector<1x16xf32>,
      %get3A_276 = vector.shape_cast %get3A_275 : vector<1x16xf32> to vector<16xf32>
      %add3A_277 = arith.addf %scan3A_254, %get3A_276 : vector<16xf32>
      %get3A_278 = arith.index_cast %scan3A_252 : i32 to index
      %get3A_279 = arith.constant 32 : index
      %get3A_280 = tpu.vector_load %arg9[%get3A_278, %get3A_279] {strides = array<i32>} : memref<64x256xf32, #tpu.memory_space<vmem>>, vector<1x16xf32>,
      %get3A_281 = vector.shape_cast %get3A_280 : vector<1x16xf32> to vector<16xf32>
      %add3A_282 = arith.addf %scan3A_255, %get3A_281 : vector<16xf32>
      %get3A_283 = arith.index_cast %scan3A_252 : i32 to index
      %get3A_284 = arith.constant 48 : index
      %get3A_285 = tpu.vector_load %arg9[%get3A_283, %get3A_284] {strides = array<i32>} : memref<64x256xf32, #tpu.memory_space<vmem>>, vector<1x16xf32>,
      %get3A_286 = vector.shape_cast %get3A_285 : vector<1x16xf32> to vector<16xf32>
      %add3A_287 = arith.addf %scan3A_256, %get3A_286 : vector<16xf32>
      %get3A_288 = arith.index_cast %scan3A_252 : i32 to index
      %get3A_289 = arith.constant 64 : index
      %get3A_290 = tpu.vector_load %arg9[%get3A_288, %get3A_289] {strides = array<i32>} : memref<64x256xf32, #tpu.memory_space<vmem>>, vector<1x16xf32>,
      %get3A_291 = vector.shape_cast %get3A_290 : vector<1x16xf32> to vector<16xf32>
      %add3A_292 = arith.addf %scan3A_257, %get3A_291 : vector<16xf32>
      %get3A_293 = arith.index_cast %scan3A_252 : i32 to index
      %get3A_294 = arith.constant 80 : index
      %get3A_295 = tpu.vector_load %arg9[%get3A_293, %get3A_294] {strides = array<i32>} : memref<64x256xf32, #tpu.memory_space<vmem>>, vector<1x16xf32>,
      %get3A_296 = vector.shape_cast %get3A_295 : vector<1x16xf32> to vector<16xf32>
      %add3A_297 = arith.addf %scan3A_258, %get3A_296 : vector<16xf32>
      %get3A_298 = arith.index_cast %scan3A_252 : i32 to index
      %get3A_299 = arith.constant 96 : index
      %get3A_300 = tpu.vector_load %arg9[%get3A_298, %get3A_299] {strides = array<i32>} : memref<64x256xf32, #tpu.memory_space<vmem>>, vector<1x16xf32>,
      %get3A_301 = vector.shape_cast %get3A_300 : vector<1x16xf32> to vector<16xf32>
      %add3A_302 = arith.addf %scan3A_259, %get3A_301 : vector<16xf32>
      %get3A_303 = arith.index_cast %scan3A_252 : i32 to index
      %get3A_304 = arith.constant 112 : index
      %get3A_305 = tpu.vector_load %arg9[%get3A_303, %get3A_304] {strides = array<i32>} : memref<64x256xf32, #tpu.memory_space<vmem>>, vector<1x16xf32>,
      %get3A_306 = vector.shape_cast %get3A_305 : vector<1x16xf32> to vector<16xf32>
      %add3A_307 = arith.addf %scan3A_260, %get3A_306 : vector<16xf32>
      %get3A_308 = arith.index_cast %scan3A_252 : i32 to index
      %get3A_309 = arith.constant 128 : index
      %get3A_310 = tpu.vector_load %arg9[%get3A_308, %get3A_309] {strides = array<i32>} : memref<64x256xf32, #tpu.memory_space<vmem>>, vector<1x16xf32>,
      %get3A_311 = vector.shape_cast %get3A_310 : vector<1x16xf32> to vector<16xf32>
      %add3A_312 = arith.addf %scan3A_261, %get3A_311 : vector<16xf32>
      %get3A_313 = arith.index_cast %scan3A_252 : i32 to index
      %get3A_314 = arith.constant 144 : index
      %get3A_315 = tpu.vector_load %arg9[%get3A_313, %get3A_314] {strides = array<i32>} : memref<64x256xf32, #tpu.memory_space<vmem>>, vector<1x16xf32>,
      %get3A_316 = vector.shape_cast %get3A_315 : vector<1x16xf32> to vector<16xf32>
      %add3A_317 = arith.addf %scan3A_262, %get3A_316 : vector<16xf32>
      %get3A_318 = arith.index_cast %scan3A_252 : i32 to index
      %get3A_319 = arith.constant 160 : index
      %get3A_320 = tpu.vector_load %arg9[%get3A_318, %get3A_319] {strides = array<i32>} : memref<64x256xf32, #tpu.memory_space<vmem>>, vector<1x16xf32>,
      %get3A_321 = vector.shape_cast %get3A_320 : vector<1x16xf32> to vector<16xf32>
      %add3A_322 = arith.addf %scan3A_263, %get3A_321 : vector<16xf32>
      %get3A_323 = arith.index_cast %scan3A_252 : i32 to index
      %get3A_324 = arith.constant 176 : index
      %get3A_325 = tpu.vector_load %arg9[%get3A_323, %get3A_324] {strides = array<i32>} : memref<64x256xf32, #tpu.memory_space<vmem>>, vector<1x16xf32>,
      %get3A_326 = vector.shape_cast %get3A_325 : vector<1x16xf32> to vector<16xf32>
      %add3A_327 = arith.addf %scan3A_264, %get3A_326 : vector<16xf32>
      %get3A_328 = arith.index_cast %scan3A_252 : i32 to index
      %get3A_329 = arith.constant 192 : index
      %get3A_330 = tpu.vector_load %arg9[%get3A_328, %get3A_329] {strides = array<i32>} : memref<64x256xf32, #tpu.memory_space<vmem>>, vector<1x16xf32>,
      %get3A_331 = vector.shape_cast %get3A_330 : vector<1x16xf32> to vector<16xf32>
      %add3A_332 = arith.addf %scan3A_265, %get3A_331 : vector<16xf32>
      %get3A_333 = arith.index_cast %scan3A_252 : i32 to index
      %get3A_334 = arith.constant 208 : index
      %get3A_335 = tpu.vector_load %arg9[%get3A_333, %get3A_334] {strides = array<i32>} : memref<64x256xf32, #tpu.memory_space<vmem>>, vector<1x16xf32>,
      %get3A_336 = vector.shape_cast %get3A_335 : vector<1x16xf32> to vector<16xf32>
      %add3A_337 = arith.addf %scan3A_266, %get3A_336 : vector<16xf32>
      %get3A_338 = arith.index_cast %scan3A_252 : i32 to index
      %get3A_339 = arith.constant 224 : index
      %get3A_340 = tpu.vector_load %arg9[%get3A_338, %get3A_339] {strides = array<i32>} : memref<64x256xf32, #tpu.memory_space<vmem>>, vector<1x16xf32>,
      %get3A_341 = vector.shape_cast %get3A_340 : vector<1x16xf32> to vector<16xf32>
      %add3A_342 = arith.addf %scan3A_267, %get3A_341 : vector<16xf32>
      %get3A_343 = arith.index_cast %scan3A_252 : i32 to index
      %get3A_344 = arith.constant 240 : index
      %get3A_345 = tpu.vector_load %arg9[%get3A_343, %get3A_344] {strides = array<i32>} : memref<64x256xf32, #tpu.memory_space<vmem>>, vector<1x16xf32>,
      %get3A_346 = vector.shape_cast %get3A_345 : vector<1x16xf32> to vector<16xf32>
      %add3A_347 = arith.addf %scan3A_268, %get3A_346 : vector<16xf32>
      scf.yield %add3A_272, %add3A_277, %add3A_282, %add3A_287, %add3A_292, %add3A_297, %add3A_302, %add3A_307, %add3A_312, %add3A_317, %add3A_322, %add3A_327, %add3A_332, %add3A_337, %add3A_342, %add3A_347 : vector<16xf32>, vector<16xf32>, vector<16xf32>, vector<16xf32>, vector<16xf32>, vector<16xf32>, vector<16xf32>, vector<16xf32>, vector<16xf32>, vector<16xf32>, vector<16xf32>, vector<16xf32>, vector<16xf32>, vector<16xf32>, vector<16xf32>, vector<16xf32>
    }
    %scan3A_129 = arith.constant 64 : i32
    %dma_start3A_130 = arith.constant 3 : i32
    %dma_start3A_131 = arith.constant 64 : i32
    %dma_start3A_132 = tpu.memref_slice %arg5[%dma_start3A_130, %dma_start3A_131] : memref<4x128xi32, #tpu.memory_space<vmem>> -> memref<1x64xi32, #tpu.memory_space<vmem>>
    %dma_start3A_133 = tpu.memref_squeeze %dma_start3A_132 : memref<1x64xi32, #tpu.memory_space<vmem>> -> memref<64xi32, #tpu.memory_space<vmem>>
    %dma_start3A_134 = arith.constant 0 : i32
    %dma_start3A_135 = arith.constant 0 : i32
    %dma_start3A_136 = tpu.memref_slice %arg3[%dma_start3A_134, %dma_start3A_135] : memref<1000000x256xf32, #tpu.memory_space<hbm>> -> memref<1000000x256xf32, #tpu.memory_space<hbm>>
    tpu.enqueue_indirect_dma source(%dma_start3A_136 : memref<1000000x256xf32, #tpu.memory_space<hbm>>) target(%arg9 : memref<64x256xf32, #tpu.memory_space<vmem>>) offsets(%dma_start3A_133 : memref<64xi32, #tpu.memory_space<vmem>>) semaphore(%arg14 : memref<!tpu.dma_semaphore, #tpu.memory_space<semaphore_mem>>)
    %dma_wait3A_137 = arith.constant 2 : i32
    %dma_wait3A_138 = arith.constant 0 : i32
    %dma_wait3A_139 = tpu.memref_slice %arg5[%dma_wait3A_137, %dma_wait3A_138] : memref<4x128xi32, #tpu.memory_space<vmem>> -> memref<1x64xi32, #tpu.memory_space<vmem>>
    %dma_wait3A_140 = tpu.memref_squeeze %dma_wait3A_139 : memref<1x64xi32, #tpu.memory_space<vmem>> -> memref<64xi32, #tpu.memory_space<vmem>>
    %dma_wait3A_141 = arith.constant 0 : i32
    %dma_wait3A_142 = arith.constant 0 : i32
    %dma_wait3A_143 = tpu.memref_slice %arg3[%dma_wait3A_141, %dma_wait3A_142] : memref<1000000x256xf32, #tpu.memory_space<hbm>> -> memref<1000000x256xf32, #tpu.memory_space<hbm>>
    tpu.wait_indirect_dma semaphore(%arg11 : memref<!tpu.dma_semaphore, #tpu.memory_space<semaphore_mem>>) src(%dma_wait3A_143 : memref<1000000x256xf32, #tpu.memory_space<hbm>>) dst(%arg6 : memref<64x256xf32, #tpu.memory_space<vmem>>)
    %scan3A_144 = arith.constant 0 : i32
    %scan3A_145 = arith.constant 64 : i32
    %scan3A_146 = arith.addi %scan3A_144, %scan3A_145 : i32
    %scan3A_147 = arith.constant 1 : i32
    %scan3A_148:16 = scf.for %scan3A_252 = %scan3A_144 to %scan3A_146 step %scan3A_147 iter_args(%scan3A_253 = %scan3A_128#0, %scan3A_254 = %scan3A_128#1, %scan3A_255 = %scan3A_128#2, %scan3A_256 = %scan3A_128#3, %scan3A_257 = %scan3A_128#4, %scan3A_258 = %scan3A_128#5, %scan3A_259 = %scan3A_128#6, %scan3A_260 = %scan3A_128#7, %scan3A_261 = %scan3A_128#8, %scan3A_262 = %scan3A_128#9, %scan3A_263 = %scan3A_128#10, %scan3A_264 = %scan3A_128#11, %scan3A_265 = %scan3A_128#12, %scan3A_266 = %scan3A_128#13, %scan3A_267 = %scan3A_128#14, %scan3A_268 = %scan3A_128#15) -> (vector<16xf32>, vector<16xf32>, vector<16xf32>, vector<16xf32>, vector<16xf32>, vector<16xf32>, vector<16xf32>, vector<16xf32>, vector<16xf32>, vector<16xf32>, vector<16xf32>, vector<16xf32>, vector<16xf32>, vector<16xf32>, vector<16xf32>, vector<16xf32>)  : i32 {
      %get3A = arith.index_cast %scan3A_252 : i32 to index
      %get3A_269 = arith.constant 0 : index
      %get3A_270 = tpu.vector_load %arg6[%get3A, %get3A_269] {strides = array<i32>} : memref<64x256xf32, #tpu.memory_space<vmem>>, vector<1x16xf32>,
      %get3A_271 = vector.shape_cast %get3A_270 : vector<1x16xf32> to vector<16xf32>
      %add3A_272 = arith.addf %scan3A_253, %get3A_271 : vector<16xf32>
      %get3A_273 = arith.index_cast %scan3A_252 : i32 to index
      %get3A_274 = arith.constant 16 : index
      %get3A_275 = tpu.vector_load %arg6[%get3A_273, %get3A_274] {strides = array<i32>} : memref<64x256xf32, #tpu.memory_space<vmem>>, vector<1x16xf32>,
      %get3A_276 = vector.shape_cast %get3A_275 : vector<1x16xf32> to vector<16xf32>
      %add3A_277 = arith.addf %scan3A_254, %get3A_276 : vector<16xf32>
      %get3A_278 = arith.index_cast %scan3A_252 : i32 to index
      %get3A_279 = arith.constant 32 : index
      %get3A_280 = tpu.vector_load %arg6[%get3A_278, %get3A_279] {strides = array<i32>} : memref<64x256xf32, #tpu.memory_space<vmem>>, vector<1x16xf32>,
      %get3A_281 = vector.shape_cast %get3A_280 : vector<1x16xf32> to vector<16xf32>
      %add3A_282 = arith.addf %scan3A_255, %get3A_281 : vector<16xf32>
      %get3A_283 = arith.index_cast %scan3A_252 : i32 to index
      %get3A_284 = arith.constant 48 : index
      %get3A_285 = tpu.vector_load %arg6[%get3A_283, %get3A_284] {strides = array<i32>} : memref<64x256xf32, #tpu.memory_space<vmem>>, vector<1x16xf32>,
      %get3A_286 = vector.shape_cast %get3A_285 : vector<1x16xf32> to vector<16xf32>
      %add3A_287 = arith.addf %scan3A_256, %get3A_286 : vector<16xf32>
      %get3A_288 = arith.index_cast %scan3A_252 : i32 to index
      %get3A_289 = arith.constant 64 : index
      %get3A_290 = tpu.vector_load %arg6[%get3A_288, %get3A_289] {strides = array<i32>} : memref<64x256xf32, #tpu.memory_space<vmem>>, vector<1x16xf32>,
      %get3A_291 = vector.shape_cast %get3A_290 : vector<1x16xf32> to vector<16xf32>
      %add3A_292 = arith.addf %scan3A_257, %get3A_291 : vector<16xf32>
      %get3A_293 = arith.index_cast %scan3A_252 : i32 to index
      %get3A_294 = arith.constant 80 : index
      %get3A_295 = tpu.vector_load %arg6[%get3A_293, %get3A_294] {strides = array<i32>} : memref<64x256xf32, #tpu.memory_space<vmem>>, vector<1x16xf32>,
      %get3A_296 = vector.shape_cast %get3A_295 : vector<1x16xf32> to vector<16xf32>
      %add3A_297 = arith.addf %scan3A_258, %get3A_296 : vector<16xf32>
      %get3A_298 = arith.index_cast %scan3A_252 : i32 to index
      %get3A_299 = arith.constant 96 : index
      %get3A_300 = tpu.vector_load %arg6[%get3A_298, %get3A_299] {strides = array<i32>} : memref<64x256xf32, #tpu.memory_space<vmem>>, vector<1x16xf32>,
      %get3A_301 = vector.shape_cast %get3A_300 : vector<1x16xf32> to vector<16xf32>
      %add3A_302 = arith.addf %scan3A_259, %get3A_301 : vector<16xf32>
      %get3A_303 = arith.index_cast %scan3A_252 : i32 to index
      %get3A_304 = arith.constant 112 : index
      %get3A_305 = tpu.vector_load %arg6[%get3A_303, %get3A_304] {strides = array<i32>} : memref<64x256xf32, #tpu.memory_space<vmem>>, vector<1x16xf32>,
      %get3A_306 = vector.shape_cast %get3A_305 : vector<1x16xf32> to vector<16xf32>
      %add3A_307 = arith.addf %scan3A_260, %get3A_306 : vector<16xf32>
      %get3A_308 = arith.index_cast %scan3A_252 : i32 to index
      %get3A_309 = arith.constant 128 : index
      %get3A_310 = tpu.vector_load %arg6[%get3A_308, %get3A_309] {strides = array<i32>} : memref<64x256xf32, #tpu.memory_space<vmem>>, vector<1x16xf32>,
      %get3A_311 = vector.shape_cast %get3A_310 : vector<1x16xf32> to vector<16xf32>
      %add3A_312 = arith.addf %scan3A_261, %get3A_311 : vector<16xf32>
      %get3A_313 = arith.index_cast %scan3A_252 : i32 to index
      %get3A_314 = arith.constant 144 : index
      %get3A_315 = tpu.vector_load %arg6[%get3A_313, %get3A_314] {strides = array<i32>} : memref<64x256xf32, #tpu.memory_space<vmem>>, vector<1x16xf32>,
      %get3A_316 = vector.shape_cast %get3A_315 : vector<1x16xf32> to vector<16xf32>
      %add3A_317 = arith.addf %scan3A_262, %get3A_316 : vector<16xf32>
      %get3A_318 = arith.index_cast %scan3A_252 : i32 to index
      %get3A_319 = arith.constant 160 : index
      %get3A_320 = tpu.vector_load %arg6[%get3A_318, %get3A_319] {strides = array<i32>} : memref<64x256xf32, #tpu.memory_space<vmem>>, vector<1x16xf32>,
      %get3A_321 = vector.shape_cast %get3A_320 : vector<1x16xf32> to vector<16xf32>
      %add3A_322 = arith.addf %scan3A_263, %get3A_321 : vector<16xf32>
      %get3A_323 = arith.index_cast %scan3A_252 : i32 to index
      %get3A_324 = arith.constant 176 : index
      %get3A_325 = tpu.vector_load %arg6[%get3A_323, %get3A_324] {strides = array<i32>} : memref<64x256xf32, #tpu.memory_space<vmem>>, vector<1x16xf32>,
      %get3A_326 = vector.shape_cast %get3A_325 : vector<1x16xf32> to vector<16xf32>
      %add3A_327 = arith.addf %scan3A_264, %get3A_326 : vector<16xf32>
      %get3A_328 = arith.index_cast %scan3A_252 : i32 to index
      %get3A_329 = arith.constant 192 : index
      %get3A_330 = tpu.vector_load %arg6[%get3A_328, %get3A_329] {strides = array<i32>} : memref<64x256xf32, #tpu.memory_space<vmem>>, vector<1x16xf32>,
      %get3A_331 = vector.shape_cast %get3A_330 : vector<1x16xf32> to vector<16xf32>
      %add3A_332 = arith.addf %scan3A_265, %get3A_331 : vector<16xf32>
      %get3A_333 = arith.index_cast %scan3A_252 : i32 to index
      %get3A_334 = arith.constant 208 : index
      %get3A_335 = tpu.vector_load %arg6[%get3A_333, %get3A_334] {strides = array<i32>} : memref<64x256xf32, #tpu.memory_space<vmem>>, vector<1x16xf32>,
      %get3A_336 = vector.shape_cast %get3A_335 : vector<1x16xf32> to vector<16xf32>
      %add3A_337 = arith.addf %scan3A_266, %get3A_336 : vector<16xf32>
      %get3A_338 = arith.index_cast %scan3A_252 : i32 to index
      %get3A_339 = arith.constant 224 : index
      %get3A_340 = tpu.vector_load %arg6[%get3A_338, %get3A_339] {strides = array<i32>} : memref<64x256xf32, #tpu.memory_space<vmem>>, vector<1x16xf32>,
      %get3A_341 = vector.shape_cast %get3A_340 : vector<1x16xf32> to vector<16xf32>
      %add3A_342 = arith.addf %scan3A_267, %get3A_341 : vector<16xf32>
      %get3A_343 = arith.index_cast %scan3A_252 : i32 to index
      %get3A_344 = arith.constant 240 : index
      %get3A_345 = tpu.vector_load %arg6[%get3A_343, %get3A_344] {strides = array<i32>} : memref<64x256xf32, #tpu.memory_space<vmem>>, vector<1x16xf32>,
      %get3A_346 = vector.shape_cast %get3A_345 : vector<1x16xf32> to vector<16xf32>
      %add3A_347 = arith.addf %scan3A_268, %get3A_346 : vector<16xf32>
      scf.yield %add3A_272, %add3A_277, %add3A_282, %add3A_287, %add3A_292, %add3A_297, %add3A_302, %add3A_307, %add3A_312, %add3A_317, %add3A_322, %add3A_327, %add3A_332, %add3A_337, %add3A_342, %add3A_347 : vector<16xf32>, vector<16xf32>, vector<16xf32>, vector<16xf32>, vector<16xf32>, vector<16xf32>, vector<16xf32>, vector<16xf32>, vector<16xf32>, vector<16xf32>, vector<16xf32>, vector<16xf32>, vector<16xf32>, vector<16xf32>, vector<16xf32>, vector<16xf32>
    }
    %scan3A_149 = arith.constant 64 : i32
    %dma_wait3A_150 = arith.constant 2 : i32
    %dma_wait3A_151 = arith.constant 64 : i32
    %dma_wait3A_152 = tpu.memref_slice %arg5[%dma_wait3A_150, %dma_wait3A_151] : memref<4x128xi32, #tpu.memory_space<vmem>> -> memref<1x64xi32, #tpu.memory_space<vmem>>
    %dma_wait3A_153 = tpu.memref_squeeze %dma_wait3A_152 : memref<1x64xi32, #tpu.memory_space<vmem>> -> memref<64xi32, #tpu.memory_space<vmem>>
    %dma_wait3A_154 = arith.constant 0 : i32
    %dma_wait3A_155 = arith.constant 0 : i32
    %dma_wait3A_156 = tpu.memref_slice %arg3[%dma_wait3A_154, %dma_wait3A_155] : memref<1000000x256xf32, #tpu.memory_space<hbm>> -> memref<1000000x256xf32, #tpu.memory_space<hbm>>
    tpu.wait_indirect_dma semaphore(%arg12 : memref<!tpu.dma_semaphore, #tpu.memory_space<semaphore_mem>>) src(%dma_wait3A_156 : memref<1000000x256xf32, #tpu.memory_space<hbm>>) dst(%arg7 : memref<64x256xf32, #tpu.memory_space<vmem>>)
    %scan3A_157 = arith.constant 0 : i32
    %scan3A_158 = arith.constant 64 : i32
    %scan3A_159 = arith.addi %scan3A_157, %scan3A_158 : i32
    %scan3A_160 = arith.constant 1 : i32
    %scan3A_161:16 = scf.for %scan3A_252 = %scan3A_157 to %scan3A_159 step %scan3A_160 iter_args(%scan3A_253 = %scan3A_148#0, %scan3A_254 = %scan3A_148#1, %scan3A_255 = %scan3A_148#2, %scan3A_256 = %scan3A_148#3, %scan3A_257 = %scan3A_148#4, %scan3A_258 = %scan3A_148#5, %scan3A_259 = %scan3A_148#6, %scan3A_260 = %scan3A_148#7, %scan3A_261 = %scan3A_148#8, %scan3A_262 = %scan3A_148#9, %scan3A_263 = %scan3A_148#10, %scan3A_264 = %scan3A_148#11, %scan3A_265 = %scan3A_148#12, %scan3A_266 = %scan3A_148#13, %scan3A_267 = %scan3A_148#14, %scan3A_268 = %scan3A_148#15) -> (vector<16xf32>, vector<16xf32>, vector<16xf32>, vector<16xf32>, vector<16xf32>, vector<16xf32>, vector<16xf32>, vector<16xf32>, vector<16xf32>, vector<16xf32>, vector<16xf32>, vector<16xf32>, vector<16xf32>, vector<16xf32>, vector<16xf32>, vector<16xf32>)  : i32 {
      %get3A = arith.index_cast %scan3A_252 : i32 to index
      %get3A_269 = arith.constant 0 : index
      %get3A_270 = tpu.vector_load %arg7[%get3A, %get3A_269] {strides = array<i32>} : memref<64x256xf32, #tpu.memory_space<vmem>>, vector<1x16xf32>,
      %get3A_271 = vector.shape_cast %get3A_270 : vector<1x16xf32> to vector<16xf32>
      %add3A_272 = arith.addf %scan3A_253, %get3A_271 : vector<16xf32>
      %get3A_273 = arith.index_cast %scan3A_252 : i32 to index
      %get3A_274 = arith.constant 16 : index
      %get3A_275 = tpu.vector_load %arg7[%get3A_273, %get3A_274] {strides = array<i32>} : memref<64x256xf32, #tpu.memory_space<vmem>>, vector<1x16xf32>,
      %get3A_276 = vector.shape_cast %get3A_275 : vector<1x16xf32> to vector<16xf32>
      %add3A_277 = arith.addf %scan3A_254, %get3A_276 : vector<16xf32>
      %get3A_278 = arith.index_cast %scan3A_252 : i32 to index
      %get3A_279 = arith.constant 32 : index
      %get3A_280 = tpu.vector_load %arg7[%get3A_278, %get3A_279] {strides = array<i32>} : memref<64x256xf32, #tpu.memory_space<vmem>>, vector<1x16xf32>,
      %get3A_281 = vector.shape_cast %get3A_280 : vector<1x16xf32> to vector<16xf32>
      %add3A_282 = arith.addf %scan3A_255, %get3A_281 : vector<16xf32>
      %get3A_283 = arith.index_cast %scan3A_252 : i32 to index
      %get3A_284 = arith.constant 48 : index
      %get3A_285 = tpu.vector_load %arg7[%get3A_283, %get3A_284] {strides = array<i32>} : memref<64x256xf32, #tpu.memory_space<vmem>>, vector<1x16xf32>,
      %get3A_286 = vector.shape_cast %get3A_285 : vector<1x16xf32> to vector<16xf32>
      %add3A_287 = arith.addf %scan3A_256, %get3A_286 : vector<16xf32>
      %get3A_288 = arith.index_cast %scan3A_252 : i32 to index
      %get3A_289 = arith.constant 64 : index
      %get3A_290 = tpu.vector_load %arg7[%get3A_288, %get3A_289] {strides = array<i32>} : memref<64x256xf32, #tpu.memory_space<vmem>>, vector<1x16xf32>,
      %get3A_291 = vector.shape_cast %get3A_290 : vector<1x16xf32> to vector<16xf32>
      %add3A_292 = arith.addf %scan3A_257, %get3A_291 : vector<16xf32>
      %get3A_293 = arith.index_cast %scan3A_252 : i32 to index
      %get3A_294 = arith.constant 80 : index
      %get3A_295 = tpu.vector_load %arg7[%get3A_293, %get3A_294] {strides = array<i32>} : memref<64x256xf32, #tpu.memory_space<vmem>>, vector<1x16xf32>,
      %get3A_296 = vector.shape_cast %get3A_295 : vector<1x16xf32> to vector<16xf32>
      %add3A_297 = arith.addf %scan3A_258, %get3A_296 : vector<16xf32>
      %get3A_298 = arith.index_cast %scan3A_252 : i32 to index
      %get3A_299 = arith.constant 96 : index
      %get3A_300 = tpu.vector_load %arg7[%get3A_298, %get3A_299] {strides = array<i32>} : memref<64x256xf32, #tpu.memory_space<vmem>>, vector<1x16xf32>,
      %get3A_301 = vector.shape_cast %get3A_300 : vector<1x16xf32> to vector<16xf32>
      %add3A_302 = arith.addf %scan3A_259, %get3A_301 : vector<16xf32>
      %get3A_303 = arith.index_cast %scan3A_252 : i32 to index
      %get3A_304 = arith.constant 112 : index
      %get3A_305 = tpu.vector_load %arg7[%get3A_303, %get3A_304] {strides = array<i32>} : memref<64x256xf32, #tpu.memory_space<vmem>>, vector<1x16xf32>,
      %get3A_306 = vector.shape_cast %get3A_305 : vector<1x16xf32> to vector<16xf32>
      %add3A_307 = arith.addf %scan3A_260, %get3A_306 : vector<16xf32>
      %get3A_308 = arith.index_cast %scan3A_252 : i32 to index
      %get3A_309 = arith.constant 128 : index
      %get3A_310 = tpu.vector_load %arg7[%get3A_308, %get3A_309] {strides = array<i32>} : memref<64x256xf32, #tpu.memory_space<vmem>>, vector<1x16xf32>,
      %get3A_311 = vector.shape_cast %get3A_310 : vector<1x16xf32> to vector<16xf32>
      %add3A_312 = arith.addf %scan3A_261, %get3A_311 : vector<16xf32>
      %get3A_313 = arith.index_cast %scan3A_252 : i32 to index
      %get3A_314 = arith.constant 144 : index
      %get3A_315 = tpu.vector_load %arg7[%get3A_313, %get3A_314] {strides = array<i32>} : memref<64x256xf32, #tpu.memory_space<vmem>>, vector<1x16xf32>,
      %get3A_316 = vector.shape_cast %get3A_315 : vector<1x16xf32> to vector<16xf32>
      %add3A_317 = arith.addf %scan3A_262, %get3A_316 : vector<16xf32>
      %get3A_318 = arith.index_cast %scan3A_252 : i32 to index
      %get3A_319 = arith.constant 160 : index
      %get3A_320 = tpu.vector_load %arg7[%get3A_318, %get3A_319] {strides = array<i32>} : memref<64x256xf32, #tpu.memory_space<vmem>>, vector<1x16xf32>,
      %get3A_321 = vector.shape_cast %get3A_320 : vector<1x16xf32> to vector<16xf32>
      %add3A_322 = arith.addf %scan3A_263, %get3A_321 : vector<16xf32>
      %get3A_323 = arith.index_cast %scan3A_252 : i32 to index
      %get3A_324 = arith.constant 176 : index
      %get3A_325 = tpu.vector_load %arg7[%get3A_323, %get3A_324] {strides = array<i32>} : memref<64x256xf32, #tpu.memory_space<vmem>>, vector<1x16xf32>,
      %get3A_326 = vector.shape_cast %get3A_325 : vector<1x16xf32> to vector<16xf32>
      %add3A_327 = arith.addf %scan3A_264, %get3A_326 : vector<16xf32>
      %get3A_328 = arith.index_cast %scan3A_252 : i32 to index
      %get3A_329 = arith.constant 192 : index
      %get3A_330 = tpu.vector_load %arg7[%get3A_328, %get3A_329] {strides = array<i32>} : memref<64x256xf32, #tpu.memory_space<vmem>>, vector<1x16xf32>,
      %get3A_331 = vector.shape_cast %get3A_330 : vector<1x16xf32> to vector<16xf32>
      %add3A_332 = arith.addf %scan3A_265, %get3A_331 : vector<16xf32>
      %get3A_333 = arith.index_cast %scan3A_252 : i32 to index
      %get3A_334 = arith.constant 208 : index
      %get3A_335 = tpu.vector_load %arg7[%get3A_333, %get3A_334] {strides = array<i32>} : memref<64x256xf32, #tpu.memory_space<vmem>>, vector<1x16xf32>,
      %get3A_336 = vector.shape_cast %get3A_335 : vector<1x16xf32> to vector<16xf32>
      %add3A_337 = arith.addf %scan3A_266, %get3A_336 : vector<16xf32>
      %get3A_338 = arith.index_cast %scan3A_252 : i32 to index
      %get3A_339 = arith.constant 224 : index
      %get3A_340 = tpu.vector_load %arg7[%get3A_338, %get3A_339] {strides = array<i32>} : memref<64x256xf32, #tpu.memory_space<vmem>>, vector<1x16xf32>,
      %get3A_341 = vector.shape_cast %get3A_340 : vector<1x16xf32> to vector<16xf32>
      %add3A_342 = arith.addf %scan3A_267, %get3A_341 : vector<16xf32>
      %get3A_343 = arith.index_cast %scan3A_252 : i32 to index
      %get3A_344 = arith.constant 240 : index
      %get3A_345 = tpu.vector_load %arg7[%get3A_343, %get3A_344] {strides = array<i32>} : memref<64x256xf32, #tpu.memory_space<vmem>>, vector<1x16xf32>,
      %get3A_346 = vector.shape_cast %get3A_345 : vector<1x16xf32> to vector<16xf32>
      %add3A_347 = arith.addf %scan3A_268, %get3A_346 : vector<16xf32>
      scf.yield %add3A_272, %add3A_277, %add3A_282, %add3A_287, %add3A_292, %add3A_297, %add3A_302, %add3A_307, %add3A_312, %add3A_317, %add3A_322, %add3A_327, %add3A_332, %add3A_337, %add3A_342, %add3A_347 : vector<16xf32>, vector<16xf32>, vector<16xf32>, vector<16xf32>, vector<16xf32>, vector<16xf32>, vector<16xf32>, vector<16xf32>, vector<16xf32>, vector<16xf32>, vector<16xf32>, vector<16xf32>, vector<16xf32>, vector<16xf32>, vector<16xf32>, vector<16xf32>
    }
    %scan3A_162 = arith.constant 64 : i32
    %dma_wait3A_163 = arith.constant 3 : i32
    %dma_wait3A_164 = arith.constant 0 : i32
    %dma_wait3A_165 = tpu.memref_slice %arg5[%dma_wait3A_163, %dma_wait3A_164] : memref<4x128xi32, #tpu.memory_space<vmem>> -> memref<1x64xi32, #tpu.memory_space<vmem>>
    %dma_wait3A_166 = tpu.memref_squeeze %dma_wait3A_165 : memref<1x64xi32, #tpu.memory_space<vmem>> -> memref<64xi32, #tpu.memory_space<vmem>>
    %dma_wait3A_167 = arith.constant 0 : i32
    %dma_wait3A_168 = arith.constant 0 : i32
    %dma_wait3A_169 = tpu.memref_slice %arg3[%dma_wait3A_167, %dma_wait3A_168] : memref<1000000x256xf32, #tpu.memory_space<hbm>> -> memref<1000000x256xf32, #tpu.memory_space<hbm>>
    tpu.wait_indirect_dma semaphore(%arg13 : memref<!tpu.dma_semaphore, #tpu.memory_space<semaphore_mem>>) src(%dma_wait3A_169 : memref<1000000x256xf32, #tpu.memory_space<hbm>>) dst(%arg8 : memref<64x256xf32, #tpu.memory_space<vmem>>)
    %scan3A_170 = arith.constant 0 : i32
    %scan3A_171 = arith.constant 64 : i32
    %scan3A_172 = arith.addi %scan3A_170, %scan3A_171 : i32
    %scan3A_173 = arith.constant 1 : i32
    %scan3A_174:16 = scf.for %scan3A_252 = %scan3A_170 to %scan3A_172 step %scan3A_173 iter_args(%scan3A_253 = %scan3A_161#0, %scan3A_254 = %scan3A_161#1, %scan3A_255 = %scan3A_161#2, %scan3A_256 = %scan3A_161#3, %scan3A_257 = %scan3A_161#4, %scan3A_258 = %scan3A_161#5, %scan3A_259 = %scan3A_161#6, %scan3A_260 = %scan3A_161#7, %scan3A_261 = %scan3A_161#8, %scan3A_262 = %scan3A_161#9, %scan3A_263 = %scan3A_161#10, %scan3A_264 = %scan3A_161#11, %scan3A_265 = %scan3A_161#12, %scan3A_266 = %scan3A_161#13, %scan3A_267 = %scan3A_161#14, %scan3A_268 = %scan3A_161#15) -> (vector<16xf32>, vector<16xf32>, vector<16xf32>, vector<16xf32>, vector<16xf32>, vector<16xf32>, vector<16xf32>, vector<16xf32>, vector<16xf32>, vector<16xf32>, vector<16xf32>, vector<16xf32>, vector<16xf32>, vector<16xf32>, vector<16xf32>, vector<16xf32>)  : i32 {
      %get3A = arith.index_cast %scan3A_252 : i32 to index
      %get3A_269 = arith.constant 0 : index
      %get3A_270 = tpu.vector_load %arg8[%get3A, %get3A_269] {strides = array<i32>} : memref<64x256xf32, #tpu.memory_space<vmem>>, vector<1x16xf32>,
      %get3A_271 = vector.shape_cast %get3A_270 : vector<1x16xf32> to vector<16xf32>
      %add3A_272 = arith.addf %scan3A_253, %get3A_271 : vector<16xf32>
      %get3A_273 = arith.index_cast %scan3A_252 : i32 to index
      %get3A_274 = arith.constant 16 : index
      %get3A_275 = tpu.vector_load %arg8[%get3A_273, %get3A_274] {strides = array<i32>} : memref<64x256xf32, #tpu.memory_space<vmem>>, vector<1x16xf32>,
      %get3A_276 = vector.shape_cast %get3A_275 : vector<1x16xf32> to vector<16xf32>
      %add3A_277 = arith.addf %scan3A_254, %get3A_276 : vector<16xf32>
      %get3A_278 = arith.index_cast %scan3A_252 : i32 to index
      %get3A_279 = arith.constant 32 : index
      %get3A_280 = tpu.vector_load %arg8[%get3A_278, %get3A_279] {strides = array<i32>} : memref<64x256xf32, #tpu.memory_space<vmem>>, vector<1x16xf32>,
      %get3A_281 = vector.shape_cast %get3A_280 : vector<1x16xf32> to vector<16xf32>
      %add3A_282 = arith.addf %scan3A_255, %get3A_281 : vector<16xf32>
      %get3A_283 = arith.index_cast %scan3A_252 : i32 to index
      %get3A_284 = arith.constant 48 : index
      %get3A_285 = tpu.vector_load %arg8[%get3A_283, %get3A_284] {strides = array<i32>} : memref<64x256xf32, #tpu.memory_space<vmem>>, vector<1x16xf32>,
      %get3A_286 = vector.shape_cast %get3A_285 : vector<1x16xf32> to vector<16xf32>
      %add3A_287 = arith.addf %scan3A_256, %get3A_286 : vector<16xf32>
      %get3A_288 = arith.index_cast %scan3A_252 : i32 to index
      %get3A_289 = arith.constant 64 : index
      %get3A_290 = tpu.vector_load %arg8[%get3A_288, %get3A_289] {strides = array<i32>} : memref<64x256xf32, #tpu.memory_space<vmem>>, vector<1x16xf32>,
      %get3A_291 = vector.shape_cast %get3A_290 : vector<1x16xf32> to vector<16xf32>
      %add3A_292 = arith.addf %scan3A_257, %get3A_291 : vector<16xf32>
      %get3A_293 = arith.index_cast %scan3A_252 : i32 to index
      %get3A_294 = arith.constant 80 : index
      %get3A_295 = tpu.vector_load %arg8[%get3A_293, %get3A_294] {strides = array<i32>} : memref<64x256xf32, #tpu.memory_space<vmem>>, vector<1x16xf32>,
      %get3A_296 = vector.shape_cast %get3A_295 : vector<1x16xf32> to vector<16xf32>
      %add3A_297 = arith.addf %scan3A_258, %get3A_296 : vector<16xf32>
      %get3A_298 = arith.index_cast %scan3A_252 : i32 to index
      %get3A_299 = arith.constant 96 : index
      %get3A_300 = tpu.vector_load %arg8[%get3A_298, %get3A_299] {strides = array<i32>} : memref<64x256xf32, #tpu.memory_space<vmem>>, vector<1x16xf32>,
      %get3A_301 = vector.shape_cast %get3A_300 : vector<1x16xf32> to vector<16xf32>
      %add3A_302 = arith.addf %scan3A_259, %get3A_301 : vector<16xf32>
      %get3A_303 = arith.index_cast %scan3A_252 : i32 to index
      %get3A_304 = arith.constant 112 : index
      %get3A_305 = tpu.vector_load %arg8[%get3A_303, %get3A_304] {strides = array<i32>} : memref<64x256xf32, #tpu.memory_space<vmem>>, vector<1x16xf32>,
      %get3A_306 = vector.shape_cast %get3A_305 : vector<1x16xf32> to vector<16xf32>
      %add3A_307 = arith.addf %scan3A_260, %get3A_306 : vector<16xf32>
      %get3A_308 = arith.index_cast %scan3A_252 : i32 to index
      %get3A_309 = arith.constant 128 : index
      %get3A_310 = tpu.vector_load %arg8[%get3A_308, %get3A_309] {strides = array<i32>} : memref<64x256xf32, #tpu.memory_space<vmem>>, vector<1x16xf32>,
      %get3A_311 = vector.shape_cast %get3A_310 : vector<1x16xf32> to vector<16xf32>
      %add3A_312 = arith.addf %scan3A_261, %get3A_311 : vector<16xf32>
      %get3A_313 = arith.index_cast %scan3A_252 : i32 to index
      %get3A_314 = arith.constant 144 : index
      %get3A_315 = tpu.vector_load %arg8[%get3A_313, %get3A_314] {strides = array<i32>} : memref<64x256xf32, #tpu.memory_space<vmem>>, vector<1x16xf32>,
      %get3A_316 = vector.shape_cast %get3A_315 : vector<1x16xf32> to vector<16xf32>
      %add3A_317 = arith.addf %scan3A_262, %get3A_316 : vector<16xf32>
      %get3A_318 = arith.index_cast %scan3A_252 : i32 to index
      %get3A_319 = arith.constant 160 : index
      %get3A_320 = tpu.vector_load %arg8[%get3A_318, %get3A_319] {strides = array<i32>} : memref<64x256xf32, #tpu.memory_space<vmem>>, vector<1x16xf32>,
      %get3A_321 = vector.shape_cast %get3A_320 : vector<1x16xf32> to vector<16xf32>
      %add3A_322 = arith.addf %scan3A_263, %get3A_321 : vector<16xf32>
      %get3A_323 = arith.index_cast %scan3A_252 : i32 to index
      %get3A_324 = arith.constant 176 : index
      %get3A_325 = tpu.vector_load %arg8[%get3A_323, %get3A_324] {strides = array<i32>} : memref<64x256xf32, #tpu.memory_space<vmem>>, vector<1x16xf32>,
      %get3A_326 = vector.shape_cast %get3A_325 : vector<1x16xf32> to vector<16xf32>
      %add3A_327 = arith.addf %scan3A_264, %get3A_326 : vector<16xf32>
      %get3A_328 = arith.index_cast %scan3A_252 : i32 to index
      %get3A_329 = arith.constant 192 : index
      %get3A_330 = tpu.vector_load %arg8[%get3A_328, %get3A_329] {strides = array<i32>} : memref<64x256xf32, #tpu.memory_space<vmem>>, vector<1x16xf32>,
      %get3A_331 = vector.shape_cast %get3A_330 : vector<1x16xf32> to vector<16xf32>
      %add3A_332 = arith.addf %scan3A_265, %get3A_331 : vector<16xf32>
      %get3A_333 = arith.index_cast %scan3A_252 : i32 to index
      %get3A_334 = arith.constant 208 : index
      %get3A_335 = tpu.vector_load %arg8[%get3A_333, %get3A_334] {strides = array<i32>} : memref<64x256xf32, #tpu.memory_space<vmem>>, vector<1x16xf32>,
      %get3A_336 = vector.shape_cast %get3A_335 : vector<1x16xf32> to vector<16xf32>
      %add3A_337 = arith.addf %scan3A_266, %get3A_336 : vector<16xf32>
      %get3A_338 = arith.index_cast %scan3A_252 : i32 to index
      %get3A_339 = arith.constant 224 : index
      %get3A_340 = tpu.vector_load %arg8[%get3A_338, %get3A_339] {strides = array<i32>} : memref<64x256xf32, #tpu.memory_space<vmem>>, vector<1x16xf32>,
      %get3A_341 = vector.shape_cast %get3A_340 : vector<1x16xf32> to vector<16xf32>
      %add3A_342 = arith.addf %scan3A_267, %get3A_341 : vector<16xf32>
      %get3A_343 = arith.index_cast %scan3A_252 : i32 to index
      %get3A_344 = arith.constant 240 : index
      %get3A_345 = tpu.vector_load %arg8[%get3A_343, %get3A_344] {strides = array<i32>} : memref<64x256xf32, #tpu.memory_space<vmem>>, vector<1x16xf32>,
      %get3A_346 = vector.shape_cast %get3A_345 : vector<1x16xf32> to vector<16xf32>
      %add3A_347 = arith.addf %scan3A_268, %get3A_346 : vector<16xf32>
      scf.yield %add3A_272, %add3A_277, %add3A_282, %add3A_287, %add3A_292, %add3A_297, %add3A_302, %add3A_307, %add3A_312, %add3A_317, %add3A_322, %add3A_327, %add3A_332, %add3A_337, %add3A_342, %add3A_347 : vector<16xf32>, vector<16xf32>, vector<16xf32>, vector<16xf32>, vector<16xf32>, vector<16xf32>, vector<16xf32>, vector<16xf32>, vector<16xf32>, vector<16xf32>, vector<16xf32>, vector<16xf32>, vector<16xf32>, vector<16xf32>, vector<16xf32>, vector<16xf32>
    }
    %scan3A_175 = arith.constant 64 : i32
    %dma_wait3A_176 = arith.constant 3 : i32
    %dma_wait3A_177 = arith.constant 64 : i32
    %dma_wait3A_178 = tpu.memref_slice %arg5[%dma_wait3A_176, %dma_wait3A_177] : memref<4x128xi32, #tpu.memory_space<vmem>> -> memref<1x64xi32, #tpu.memory_space<vmem>>
    %dma_wait3A_179 = tpu.memref_squeeze %dma_wait3A_178 : memref<1x64xi32, #tpu.memory_space<vmem>> -> memref<64xi32, #tpu.memory_space<vmem>>
    %dma_wait3A_180 = arith.constant 0 : i32
    %dma_wait3A_181 = arith.constant 0 : i32
    %dma_wait3A_182 = tpu.memref_slice %arg3[%dma_wait3A_180, %dma_wait3A_181] : memref<1000000x256xf32, #tpu.memory_space<hbm>> -> memref<1000000x256xf32, #tpu.memory_space<hbm>>
    tpu.wait_indirect_dma semaphore(%arg14 : memref<!tpu.dma_semaphore, #tpu.memory_space<semaphore_mem>>) src(%dma_wait3A_182 : memref<1000000x256xf32, #tpu.memory_space<hbm>>) dst(%arg9 : memref<64x256xf32, #tpu.memory_space<vmem>>)
    %scan3A_183 = arith.constant 0 : i32
    %scan3A_184 = arith.constant 64 : i32
    %scan3A_185 = arith.addi %scan3A_183, %scan3A_184 : i32
    %scan3A_186 = arith.constant 1 : i32
    %scan3A_187:16 = scf.for %scan3A_252 = %scan3A_183 to %scan3A_185 step %scan3A_186 iter_args(%scan3A_253 = %scan3A_174#0, %scan3A_254 = %scan3A_174#1, %scan3A_255 = %scan3A_174#2, %scan3A_256 = %scan3A_174#3, %scan3A_257 = %scan3A_174#4, %scan3A_258 = %scan3A_174#5, %scan3A_259 = %scan3A_174#6, %scan3A_260 = %scan3A_174#7, %scan3A_261 = %scan3A_174#8, %scan3A_262 = %scan3A_174#9, %scan3A_263 = %scan3A_174#10, %scan3A_264 = %scan3A_174#11, %scan3A_265 = %scan3A_174#12, %scan3A_266 = %scan3A_174#13, %scan3A_267 = %scan3A_174#14, %scan3A_268 = %scan3A_174#15) -> (vector<16xf32>, vector<16xf32>, vector<16xf32>, vector<16xf32>, vector<16xf32>, vector<16xf32>, vector<16xf32>, vector<16xf32>, vector<16xf32>, vector<16xf32>, vector<16xf32>, vector<16xf32>, vector<16xf32>, vector<16xf32>, vector<16xf32>, vector<16xf32>)  : i32 {
      %get3A = arith.index_cast %scan3A_252 : i32 to index
      %get3A_269 = arith.constant 0 : index
      %get3A_270 = tpu.vector_load %arg9[%get3A, %get3A_269] {strides = array<i32>} : memref<64x256xf32, #tpu.memory_space<vmem>>, vector<1x16xf32>,
      %get3A_271 = vector.shape_cast %get3A_270 : vector<1x16xf32> to vector<16xf32>
      %add3A_272 = arith.addf %scan3A_253, %get3A_271 : vector<16xf32>
      %get3A_273 = arith.index_cast %scan3A_252 : i32 to index
      %get3A_274 = arith.constant 16 : index
      %get3A_275 = tpu.vector_load %arg9[%get3A_273, %get3A_274] {strides = array<i32>} : memref<64x256xf32, #tpu.memory_space<vmem>>, vector<1x16xf32>,
      %get3A_276 = vector.shape_cast %get3A_275 : vector<1x16xf32> to vector<16xf32>
      %add3A_277 = arith.addf %scan3A_254, %get3A_276 : vector<16xf32>
      %get3A_278 = arith.index_cast %scan3A_252 : i32 to index
      %get3A_279 = arith.constant 32 : index
      %get3A_280 = tpu.vector_load %arg9[%get3A_278, %get3A_279] {strides = array<i32>} : memref<64x256xf32, #tpu.memory_space<vmem>>, vector<1x16xf32>,
      %get3A_281 = vector.shape_cast %get3A_280 : vector<1x16xf32> to vector<16xf32>
      %add3A_282 = arith.addf %scan3A_255, %get3A_281 : vector<16xf32>
      %get3A_283 = arith.index_cast %scan3A_252 : i32 to index
      %get3A_284 = arith.constant 48 : index
      %get3A_285 = tpu.vector_load %arg9[%get3A_283, %get3A_284] {strides = array<i32>} : memref<64x256xf32, #tpu.memory_space<vmem>>, vector<1x16xf32>,
      %get3A_286 = vector.shape_cast %get3A_285 : vector<1x16xf32> to vector<16xf32>
      %add3A_287 = arith.addf %scan3A_256, %get3A_286 : vector<16xf32>
      %get3A_288 = arith.index_cast %scan3A_252 : i32 to index
      %get3A_289 = arith.constant 64 : index
      %get3A_290 = tpu.vector_load %arg9[%get3A_288, %get3A_289] {strides = array<i32>} : memref<64x256xf32, #tpu.memory_space<vmem>>, vector<1x16xf32>,
      %get3A_291 = vector.shape_cast %get3A_290 : vector<1x16xf32> to vector<16xf32>
      %add3A_292 = arith.addf %scan3A_257, %get3A_291 : vector<16xf32>
      %get3A_293 = arith.index_cast %scan3A_252 : i32 to index
      %get3A_294 = arith.constant 80 : index
      %get3A_295 = tpu.vector_load %arg9[%get3A_293, %get3A_294] {strides = array<i32>} : memref<64x256xf32, #tpu.memory_space<vmem>>, vector<1x16xf32>,
      %get3A_296 = vector.shape_cast %get3A_295 : vector<1x16xf32> to vector<16xf32>
      %add3A_297 = arith.addf %scan3A_258, %get3A_296 : vector<16xf32>
      %get3A_298 = arith.index_cast %scan3A_252 : i32 to index
      %get3A_299 = arith.constant 96 : index
      %get3A_300 = tpu.vector_load %arg9[%get3A_298, %get3A_299] {strides = array<i32>} : memref<64x256xf32, #tpu.memory_space<vmem>>, vector<1x16xf32>,
      %get3A_301 = vector.shape_cast %get3A_300 : vector<1x16xf32> to vector<16xf32>
      %add3A_302 = arith.addf %scan3A_259, %get3A_301 : vector<16xf32>
      %get3A_303 = arith.index_cast %scan3A_252 : i32 to index
      %get3A_304 = arith.constant 112 : index
      %get3A_305 = tpu.vector_load %arg9[%get3A_303, %get3A_304] {strides = array<i32>} : memref<64x256xf32, #tpu.memory_space<vmem>>, vector<1x16xf32>,
      %get3A_306 = vector.shape_cast %get3A_305 : vector<1x16xf32> to vector<16xf32>
      %add3A_307 = arith.addf %scan3A_260, %get3A_306 : vector<16xf32>
      %get3A_308 = arith.index_cast %scan3A_252 : i32 to index
      %get3A_309 = arith.constant 128 : index
      %get3A_310 = tpu.vector_load %arg9[%get3A_308, %get3A_309] {strides = array<i32>} : memref<64x256xf32, #tpu.memory_space<vmem>>, vector<1x16xf32>,
      %get3A_311 = vector.shape_cast %get3A_310 : vector<1x16xf32> to vector<16xf32>
      %add3A_312 = arith.addf %scan3A_261, %get3A_311 : vector<16xf32>
      %get3A_313 = arith.index_cast %scan3A_252 : i32 to index
      %get3A_314 = arith.constant 144 : index
      %get3A_315 = tpu.vector_load %arg9[%get3A_313, %get3A_314] {strides = array<i32>} : memref<64x256xf32, #tpu.memory_space<vmem>>, vector<1x16xf32>,
      %get3A_316 = vector.shape_cast %get3A_315 : vector<1x16xf32> to vector<16xf32>
      %add3A_317 = arith.addf %scan3A_262, %get3A_316 : vector<16xf32>
      %get3A_318 = arith.index_cast %scan3A_252 : i32 to index
      %get3A_319 = arith.constant 160 : index
      %get3A_320 = tpu.vector_load %arg9[%get3A_318, %get3A_319] {strides = array<i32>} : memref<64x256xf32, #tpu.memory_space<vmem>>, vector<1x16xf32>,
      %get3A_321 = vector.shape_cast %get3A_320 : vector<1x16xf32> to vector<16xf32>
      %add3A_322 = arith.addf %scan3A_263, %get3A_321 : vector<16xf32>
      %get3A_323 = arith.index_cast %scan3A_252 : i32 to index
      %get3A_324 = arith.constant 176 : index
      %get3A_325 = tpu.vector_load %arg9[%get3A_323, %get3A_324] {strides = array<i32>} : memref<64x256xf32, #tpu.memory_space<vmem>>, vector<1x16xf32>,
      %get3A_326 = vector.shape_cast %get3A_325 : vector<1x16xf32> to vector<16xf32>
      %add3A_327 = arith.addf %scan3A_264, %get3A_326 : vector<16xf32>
      %get3A_328 = arith.index_cast %scan3A_252 : i32 to index
      %get3A_329 = arith.constant 192 : index
      %get3A_330 = tpu.vector_load %arg9[%get3A_328, %get3A_329] {strides = array<i32>} : memref<64x256xf32, #tpu.memory_space<vmem>>, vector<1x16xf32>,
      %get3A_331 = vector.shape_cast %get3A_330 : vector<1x16xf32> to vector<16xf32>
      %add3A_332 = arith.addf %scan3A_265, %get3A_331 : vector<16xf32>
      %get3A_333 = arith.index_cast %scan3A_252 : i32 to index
      %get3A_334 = arith.constant 208 : index
      %get3A_335 = tpu.vector_load %arg9[%get3A_333, %get3A_334] {strides = array<i32>} : memref<64x256xf32, #tpu.memory_space<vmem>>, vector<1x16xf32>,
      %get3A_336 = vector.shape_cast %get3A_335 : vector<1x16xf32> to vector<16xf32>
      %add3A_337 = arith.addf %scan3A_266, %get3A_336 : vector<16xf32>
      %get3A_338 = arith.index_cast %scan3A_252 : i32 to index
      %get3A_339 = arith.constant 224 : index
      %get3A_340 = tpu.vector_load %arg9[%get3A_338, %get3A_339] {strides = array<i32>} : memref<64x256xf32, #tpu.memory_space<vmem>>, vector<1x16xf32>,
      %get3A_341 = vector.shape_cast %get3A_340 : vector<1x16xf32> to vector<16xf32>
      %add3A_342 = arith.addf %scan3A_267, %get3A_341 : vector<16xf32>
      %get3A_343 = arith.index_cast %scan3A_252 : i32 to index
      %get3A_344 = arith.constant 240 : index
      %get3A_345 = tpu.vector_load %arg9[%get3A_343, %get3A_344] {strides = array<i32>} : memref<64x256xf32, #tpu.memory_space<vmem>>, vector<1x16xf32>,
      %get3A_346 = vector.shape_cast %get3A_345 : vector<1x16xf32> to vector<16xf32>
      %add3A_347 = arith.addf %scan3A_268, %get3A_346 : vector<16xf32>
      scf.yield %add3A_272, %add3A_277, %add3A_282, %add3A_287, %add3A_292, %add3A_297, %add3A_302, %add3A_307, %add3A_312, %add3A_317, %add3A_322, %add3A_327, %add3A_332, %add3A_337, %add3A_342, %add3A_347 : vector<16xf32>, vector<16xf32>, vector<16xf32>, vector<16xf32>, vector<16xf32>, vector<16xf32>, vector<16xf32>, vector<16xf32>, vector<16xf32>, vector<16xf32>, vector<16xf32>, vector<16xf32>, vector<16xf32>, vector<16xf32>, vector<16xf32>, vector<16xf32>
    }
    %scan3A_188 = arith.constant 64 : i32
    %swap3A = arith.constant 0 : index
    %swap3A_189 = tpu.vector_load %arg10[%swap3A] {strides = array<i32>} : memref<256xf32, #tpu.memory_space<vmem>>, vector<16xf32>,
    %swap3A_190 = vector.shape_cast %swap3A_189 : vector<16xf32> to vector<16xf32>
    %swap3A_191 = vector.shape_cast %scan3A_187#0 : vector<16xf32> to vector<16xf32>
    tpu.vector_store %arg10[%swap3A], %swap3A_191 {strides = array<i32>} : memref<256xf32, #tpu.memory_space<vmem>>, vector<16xf32>,
    %swap3A_192 = arith.constant 16 : index
    %swap3A_193 = tpu.vector_load %arg10[%swap3A_192] {strides = array<i32>} : memref<256xf32, #tpu.memory_space<vmem>>, vector<16xf32>,
    %swap3A_194 = vector.shape_cast %swap3A_193 : vector<16xf32> to vector<16xf32>
    %swap3A_195 = vector.shape_cast %scan3A_187#1 : vector<16xf32> to vector<16xf32>
    tpu.vector_store %arg10[%swap3A_192], %swap3A_195 {strides = array<i32>} : memref<256xf32, #tpu.memory_space<vmem>>, vector<16xf32>,
    %swap3A_196 = arith.constant 32 : index
    %swap3A_197 = tpu.vector_load %arg10[%swap3A_196] {strides = array<i32>} : memref<256xf32, #tpu.memory_space<vmem>>, vector<16xf32>,
    %swap3A_198 = vector.shape_cast %swap3A_197 : vector<16xf32> to vector<16xf32>
    %swap3A_199 = vector.shape_cast %scan3A_187#2 : vector<16xf32> to vector<16xf32>
    tpu.vector_store %arg10[%swap3A_196], %swap3A_199 {strides = array<i32>} : memref<256xf32, #tpu.memory_space<vmem>>, vector<16xf32>,
    %swap3A_200 = arith.constant 48 : index
    %swap3A_201 = tpu.vector_load %arg10[%swap3A_200] {strides = array<i32>} : memref<256xf32, #tpu.memory_space<vmem>>, vector<16xf32>,
    %swap3A_202 = vector.shape_cast %swap3A_201 : vector<16xf32> to vector<16xf32>
    %swap3A_203 = vector.shape_cast %scan3A_187#3 : vector<16xf32> to vector<16xf32>
    tpu.vector_store %arg10[%swap3A_200], %swap3A_203 {strides = array<i32>} : memref<256xf32, #tpu.memory_space<vmem>>, vector<16xf32>,
    %swap3A_204 = arith.constant 64 : index
    %swap3A_205 = tpu.vector_load %arg10[%swap3A_204] {strides = array<i32>} : memref<256xf32, #tpu.memory_space<vmem>>, vector<16xf32>,
    %swap3A_206 = vector.shape_cast %swap3A_205 : vector<16xf32> to vector<16xf32>
    %swap3A_207 = vector.shape_cast %scan3A_187#4 : vector<16xf32> to vector<16xf32>
    tpu.vector_store %arg10[%swap3A_204], %swap3A_207 {strides = array<i32>} : memref<256xf32, #tpu.memory_space<vmem>>, vector<16xf32>,
    %swap3A_208 = arith.constant 80 : index
    %swap3A_209 = tpu.vector_load %arg10[%swap3A_208] {strides = array<i32>} : memref<256xf32, #tpu.memory_space<vmem>>, vector<16xf32>,
    %swap3A_210 = vector.shape_cast %swap3A_209 : vector<16xf32> to vector<16xf32>
    %swap3A_211 = vector.shape_cast %scan3A_187#5 : vector<16xf32> to vector<16xf32>
    tpu.vector_store %arg10[%swap3A_208], %swap3A_211 {strides = array<i32>} : memref<256xf32, #tpu.memory_space<vmem>>, vector<16xf32>,
    %swap3A_212 = arith.constant 96 : index
    %swap3A_213 = tpu.vector_load %arg10[%swap3A_212] {strides = array<i32>} : memref<256xf32, #tpu.memory_space<vmem>>, vector<16xf32>,
    %swap3A_214 = vector.shape_cast %swap3A_213 : vector<16xf32> to vector<16xf32>
    %swap3A_215 = vector.shape_cast %scan3A_187#6 : vector<16xf32> to vector<16xf32>
    tpu.vector_store %arg10[%swap3A_212], %swap3A_215 {strides = array<i32>} : memref<256xf32, #tpu.memory_space<vmem>>, vector<16xf32>,
    %swap3A_216 = arith.constant 112 : index
    %swap3A_217 = tpu.vector_load %arg10[%swap3A_216] {strides = array<i32>} : memref<256xf32, #tpu.memory_space<vmem>>, vector<16xf32>,
    %swap3A_218 = vector.shape_cast %swap3A_217 : vector<16xf32> to vector<16xf32>
    %swap3A_219 = vector.shape_cast %scan3A_187#7 : vector<16xf32> to vector<16xf32>
    tpu.vector_store %arg10[%swap3A_216], %swap3A_219 {strides = array<i32>} : memref<256xf32, #tpu.memory_space<vmem>>, vector<16xf32>,
    %swap3A_220 = arith.constant 128 : index
    %swap3A_221 = tpu.vector_load %arg10[%swap3A_220] {strides = array<i32>} : memref<256xf32, #tpu.memory_space<vmem>>, vector<16xf32>,
    %swap3A_222 = vector.shape_cast %swap3A_221 : vector<16xf32> to vector<16xf32>
    %swap3A_223 = vector.shape_cast %scan3A_187#8 : vector<16xf32> to vector<16xf32>
    tpu.vector_store %arg10[%swap3A_220], %swap3A_223 {strides = array<i32>} : memref<256xf32, #tpu.memory_space<vmem>>, vector<16xf32>,
    %swap3A_224 = arith.constant 144 : index
    %swap3A_225 = tpu.vector_load %arg10[%swap3A_224] {strides = array<i32>} : memref<256xf32, #tpu.memory_space<vmem>>, vector<16xf32>,
    %swap3A_226 = vector.shape_cast %swap3A_225 : vector<16xf32> to vector<16xf32>
    %swap3A_227 = vector.shape_cast %scan3A_187#9 : vector<16xf32> to vector<16xf32>
    tpu.vector_store %arg10[%swap3A_224], %swap3A_227 {strides = array<i32>} : memref<256xf32, #tpu.memory_space<vmem>>, vector<16xf32>,
    %swap3A_228 = arith.constant 160 : index
    %swap3A_229 = tpu.vector_load %arg10[%swap3A_228] {strides = array<i32>} : memref<256xf32, #tpu.memory_space<vmem>>, vector<16xf32>,
    %swap3A_230 = vector.shape_cast %swap3A_229 : vector<16xf32> to vector<16xf32>
    %swap3A_231 = vector.shape_cast %scan3A_187#10 : vector<16xf32> to vector<16xf32>
    tpu.vector_store %arg10[%swap3A_228], %swap3A_231 {strides = array<i32>} : memref<256xf32, #tpu.memory_space<vmem>>, vector<16xf32>,
    %swap3A_232 = arith.constant 176 : index
    %swap3A_233 = tpu.vector_load %arg10[%swap3A_232] {strides = array<i32>} : memref<256xf32, #tpu.memory_space<vmem>>, vector<16xf32>,
    %swap3A_234 = vector.shape_cast %swap3A_233 : vector<16xf32> to vector<16xf32>
    %swap3A_235 = vector.shape_cast %scan3A_187#11 : vector<16xf32> to vector<16xf32>
    tpu.vector_store %arg10[%swap3A_232], %swap3A_235 {strides = array<i32>} : memref<256xf32, #tpu.memory_space<vmem>>, vector<16xf32>,
    %swap3A_236 = arith.constant 192 : index
    %swap3A_237 = tpu.vector_load %arg10[%swap3A_236] {strides = array<i32>} : memref<256xf32, #tpu.memory_space<vmem>>, vector<16xf32>,
    %swap3A_238 = vector.shape_cast %swap3A_237 : vector<16xf32> to vector<16xf32>
    %swap3A_239 = vector.shape_cast %scan3A_187#12 : vector<16xf32> to vector<16xf32>
    tpu.vector_store %arg10[%swap3A_236], %swap3A_239 {strides = array<i32>} : memref<256xf32, #tpu.memory_space<vmem>>, vector<16xf32>,
    %swap3A_240 = arith.constant 208 : index
    %swap3A_241 = tpu.vector_load %arg10[%swap3A_240] {strides = array<i32>} : memref<256xf32, #tpu.memory_space<vmem>>, vector<16xf32>,
    %swap3A_242 = vector.shape_cast %swap3A_241 : vector<16xf32> to vector<16xf32>
    %swap3A_243 = vector.shape_cast %scan3A_187#13 : vector<16xf32> to vector<16xf32>
    tpu.vector_store %arg10[%swap3A_240], %swap3A_243 {strides = array<i32>} : memref<256xf32, #tpu.memory_space<vmem>>, vector<16xf32>,
    %swap3A_244 = arith.constant 224 : index
    %swap3A_245 = tpu.vector_load %arg10[%swap3A_244] {strides = array<i32>} : memref<256xf32, #tpu.memory_space<vmem>>, vector<16xf32>,
    %swap3A_246 = vector.shape_cast %swap3A_245 : vector<16xf32> to vector<16xf32>
    %swap3A_247 = vector.shape_cast %scan3A_187#14 : vector<16xf32> to vector<16xf32>
    tpu.vector_store %arg10[%swap3A_244], %swap3A_247 {strides = array<i32>} : memref<256xf32, #tpu.memory_space<vmem>>, vector<16xf32>,
    %swap3A_248 = arith.constant 240 : index
    %swap3A_249 = tpu.vector_load %arg10[%swap3A_248] {strides = array<i32>} : memref<256xf32, #tpu.memory_space<vmem>>, vector<16xf32>,
    %swap3A_250 = vector.shape_cast %swap3A_249 : vector<16xf32> to vector<16xf32>
    %swap3A_251 = vector.shape_cast %scan3A_187#15 : vector<16xf32> to vector<16xf32>
    tpu.vector_store %arg10[%swap3A_248], %swap3A_251 {strides = array<i32>} : memref<256xf32, #tpu.memory_space<vmem>>, vector<16xf32>,
    "tpu.region"() ({
      %run_scoped3A = tpu.sem_alloc : memref<!tpu.dma_semaphore, #tpu.memory_space<semaphore_mem>>
      %dma_start3A_252 = arith.constant 0 : i32
      %dma_start3A_253 = tpu.memref_slice %arg4[%add3A, %dma_start3A_252] : memref<32x256xf32, #tpu.memory_space<hbm>> -> memref<1x256xf32, #tpu.memory_space<hbm>>
      %dma_start3A_254 = tpu.memref_squeeze %dma_start3A_253 : memref<1x256xf32, #tpu.memory_space<hbm>> -> memref<256xf32, #tpu.memory_space<hbm>>
      %dma_start3A_255 = arith.constant 0 : i32
      %dma_start3A_256 = tpu.memref_slice %arg4[%add3A, %dma_start3A_255] : memref<32x256xf32, #tpu.memory_space<hbm>> -> memref<1x256xf32, #tpu.memory_space<hbm>>
      %dma_start3A_257 = tpu.memref_squeeze %dma_start3A_256 : memref<1x256xf32, #tpu.memory_space<hbm>> -> memref<256xf32, #tpu.memory_space<hbm>>
      tpu.enqueue_dma source(%arg10 : memref<256xf32, #tpu.memory_space<vmem>>) target(%dma_start3A_257 : memref<256xf32, #tpu.memory_space<hbm>>) target_semaphore(%run_scoped3A : memref<!tpu.dma_semaphore, #tpu.memory_space<semaphore_mem>>)
      %dma_wait3A_258 = arith.constant 0 : i32
      %dma_wait3A_259 = tpu.memref_slice %arg4[%add3A, %dma_wait3A_258] : memref<32x256xf32, #tpu.memory_space<hbm>> -> memref<1x256xf32, #tpu.memory_space<hbm>>
      %dma_wait3A_260 = tpu.memref_squeeze %dma_wait3A_259 : memref<1x256xf32, #tpu.memory_space<hbm>> -> memref<256xf32, #tpu.memory_space<hbm>>
      %dma_wait3A_261 = arith.constant 0 : i32
      %dma_wait3A_262 = tpu.memref_slice %arg4[%add3A, %dma_wait3A_261] : memref<32x256xf32, #tpu.memory_space<hbm>> -> memref<1x256xf32, #tpu.memory_space<hbm>>
      %dma_wait3A_263 = tpu.memref_squeeze %dma_wait3A_262 : memref<1x256xf32, #tpu.memory_space<hbm>> -> memref<256xf32, #tpu.memory_space<hbm>>
      tpu.wait_dma2 semaphore(%run_scoped3A : memref<!tpu.dma_semaphore, #tpu.memory_space<semaphore_mem>>) src(%arg10 : memref<256xf32, #tpu.memory_space<vmem>>) dst(%dma_wait3A_263 : memref<256xf32, #tpu.memory_space<hbm>>)
      tpu.yield
    }) : () -> ()
    return
  }
}

module attributes {stable_mosaic.version = 14 : i64} {
  func.func @body(%arg0: memref<32x256xf32, #tpu.memory_space<vmem>>, %arg1: memref<1x256xf32, #tpu.memory_space<vmem>>, %arg2: memref<384x256xf32, #tpu.memory_space<vmem>>, %arg3: memref<384xf32, #tpu.memory_space<vmem>>, %arg4: memref<384xf32, #tpu.memory_space<vmem>>) attributes {dimension_semantics = [], scalar_prefetch = 0 : i64, scratch_operands = 0 : i64, tpu.core_type = #tpu.core_type<tc>} {
    %get3A = arith.constant 0 : index
    %get3A_0 = arith.constant 0 : index
    %get3A_1 = vector.load %arg0[%get3A, %get3A_0] : memref<32x256xf32, #tpu.memory_space<vmem>>, vector<32x256xf32>
    %reduce_sum3A = arith.constant dense<0.000000e+00> : vector<256xf32>
    %reduce_sum3A_2 = vector.multi_reduction <add>, %get3A_1, %reduce_sum3A [0] : vector<32x256xf32> to vector<256xf32>
    %broadcast_in_dim3A = vector.shape_cast %reduce_sum3A_2 : vector<256xf32> to vector<1x256xf32>
    %get3A_3 = arith.constant 0 : index
    %get3A_4 = arith.constant 0 : index
    %get3A_5 = vector.load %arg1[%get3A_3, %get3A_4] : memref<1x256xf32, #tpu.memory_space<vmem>>, vector<1x256xf32>
    %add3A = arith.addf %broadcast_in_dim3A, %get3A_5 : vector<1x256xf32>
    %mul3A = arith.constant 6.10351563E-5 : f32
    %mul3A_6 = vector.broadcast %mul3A : f32 to vector<1x256xf32>
    %mul3A_7 = arith.mulf %add3A, %mul3A_6 : vector<1x256xf32>
    %get3A_8 = arith.constant 0 : index
    %get3A_9 = arith.constant 0 : index
    %get3A_10 = vector.load %arg2[%get3A_8, %get3A_9] : memref<384x256xf32, #tpu.memory_space<vmem>>, vector<384x256xf32>
    %dot_general3A = arith.constant dense<0.000000e+00> : vector<1x384xf32>
    %dot_general3A_11 = tpu.matmul %mul3A_7, %get3A_10, %dot_general3A {dimension_numbers = #tpu.dot_dimension_numbers<[1], [1], [0], [0], [0, 0, 1, 0], [], []>, transpose_lhs_hint = false} : vector<1x256xf32>, vector<384x256xf32>, vector<1x384xf32> -> vector<1x384xf32>
    %squeeze3A = vector.shape_cast %dot_general3A_11 : vector<1x384xf32> to vector<384xf32>
    %get3A_12 = arith.constant 0 : index
    %get3A_13 = vector.load %arg3[%get3A_12] : memref<384xf32, #tpu.memory_space<vmem>>, vector<384xf32>
    %add3A_14 = arith.addf %squeeze3A, %get3A_13 : vector<384xf32>
    %swap3A = arith.constant 0 : index
    %swap3A_15 = vector.load %arg4[%swap3A] : memref<384xf32, #tpu.memory_space<vmem>>, vector<384xf32>
    tpu.vector_store %arg4[%swap3A], %add3A_14 {strides = array<i32>} : memref<384xf32, #tpu.memory_space<vmem>>, vector<384xf32>,
    return
  }
}

module attributes {stable_mosaic.version = 14 : i64} {
  func.func @body(%arg0: memref<16x1024xi32, #tpu.memory_space<vmem>>, %arg1: memref<1000x256xf32, #tpu.memory_space<vmem>>, %arg2: memref<1x256xf32, #tpu.memory_space<vmem>>) attributes {dimension_semantics = [], scalar_prefetch = 0 : i64, scratch_operands = 0 : i64, tpu.core_type = #tpu.core_type<tc>} {
    %iota3A = tpu.iota {dimensions = array<i32: 0>} : vector<1024x1024xi32>
    %broadcast_in_dim3A = arith.constant 0.000000e+00 : f32
    %broadcast_in_dim3A_0 = vector.broadcast %broadcast_in_dim3A : f32 to vector<1024x1xf32>
    %get3A = arith.constant 0 : index
    %get3A_1 = arith.constant 0 : index
    %get3A_2 = vector.load %arg0[%get3A, %get3A_1] : memref<16x1024xi32, #tpu.memory_space<vmem>>, vector<1x1024xi32>
    %eq3A = vector.broadcast %get3A_2 : vector<1x1024xi32> to vector<1024x1024xi32>
    %eq3A_3 = arith.cmpi eq, %eq3A, %iota3A : vector<1024x1024xi32>
    %convert_element_type3A = arith.extui %eq3A_3 : vector<1024x1024xi1> to vector<1024x1024xi32>
    %convert_element_type3A_4 = arith.sitofp %convert_element_type3A : vector<1024x1024xi32> to vector<1024x1024xf32>
    %reduce_sum3A = arith.constant dense<0.000000e+00> : vector<1024xf32>
    %reduce_sum3A_5 = vector.multi_reduction <add>, %convert_element_type3A_4, %reduce_sum3A [1] : vector<1024x1024xf32> to vector<1024xf32>
    %broadcast_in_dim3A_6 = vector.shape_cast %reduce_sum3A_5 : vector<1024xf32> to vector<1024x1xf32>
    %add3A = arith.addf %broadcast_in_dim3A_0, %broadcast_in_dim3A_6 : vector<1024x1xf32>
    %get3A_7 = arith.constant 1 : index
    %get3A_8 = arith.constant 0 : index
    %get3A_9 = vector.load %arg0[%get3A_7, %get3A_8] : memref<16x1024xi32, #tpu.memory_space<vmem>>, vector<1x1024xi32>
    %eq3A_10 = vector.broadcast %get3A_9 : vector<1x1024xi32> to vector<1024x1024xi32>
    %eq3A_11 = arith.cmpi eq, %eq3A_10, %iota3A : vector<1024x1024xi32>
    %convert_element_type3A_12 = arith.extui %eq3A_11 : vector<1024x1024xi1> to vector<1024x1024xi32>
    %convert_element_type3A_13 = arith.sitofp %convert_element_type3A_12 : vector<1024x1024xi32> to vector<1024x1024xf32>
    %reduce_sum3A_14 = arith.constant dense<0.000000e+00> : vector<1024xf32>
    %reduce_sum3A_15 = vector.multi_reduction <add>, %convert_element_type3A_13, %reduce_sum3A_14 [1] : vector<1024x1024xf32> to vector<1024xf32>
    %broadcast_in_dim3A_16 = vector.shape_cast %reduce_sum3A_15 : vector<1024xf32> to vector<1024x1xf32>
    %add3A_17 = arith.addf %add3A, %broadcast_in_dim3A_16 : vector<1024x1xf32>
    %get3A_18 = arith.constant 2 : index
    %get3A_19 = arith.constant 0 : index
    %get3A_20 = vector.load %arg0[%get3A_18, %get3A_19] : memref<16x1024xi32, #tpu.memory_space<vmem>>, vector<1x1024xi32>
    %eq3A_21 = vector.broadcast %get3A_20 : vector<1x1024xi32> to vector<1024x1024xi32>
    %eq3A_22 = arith.cmpi eq, %eq3A_21, %iota3A : vector<1024x1024xi32>
    %convert_element_type3A_23 = arith.extui %eq3A_22 : vector<1024x1024xi1> to vector<1024x1024xi32>
    %convert_element_type3A_24 = arith.sitofp %convert_element_type3A_23 : vector<1024x1024xi32> to vector<1024x1024xf32>
    %reduce_sum3A_25 = arith.constant dense<0.000000e+00> : vector<1024xf32>
    %reduce_sum3A_26 = vector.multi_reduction <add>, %convert_element_type3A_24, %reduce_sum3A_25 [1] : vector<1024x1024xf32> to vector<1024xf32>
    %broadcast_in_dim3A_27 = vector.shape_cast %reduce_sum3A_26 : vector<1024xf32> to vector<1024x1xf32>
    %add3A_28 = arith.addf %add3A_17, %broadcast_in_dim3A_27 : vector<1024x1xf32>
    %get3A_29 = arith.constant 3 : index
    %get3A_30 = arith.constant 0 : index
    %get3A_31 = vector.load %arg0[%get3A_29, %get3A_30] : memref<16x1024xi32, #tpu.memory_space<vmem>>, vector<1x1024xi32>
    %eq3A_32 = vector.broadcast %get3A_31 : vector<1x1024xi32> to vector<1024x1024xi32>
    %eq3A_33 = arith.cmpi eq, %eq3A_32, %iota3A : vector<1024x1024xi32>
    %convert_element_type3A_34 = arith.extui %eq3A_33 : vector<1024x1024xi1> to vector<1024x1024xi32>
    %convert_element_type3A_35 = arith.sitofp %convert_element_type3A_34 : vector<1024x1024xi32> to vector<1024x1024xf32>
    %reduce_sum3A_36 = arith.constant dense<0.000000e+00> : vector<1024xf32>
    %reduce_sum3A_37 = vector.multi_reduction <add>, %convert_element_type3A_35, %reduce_sum3A_36 [1] : vector<1024x1024xf32> to vector<1024xf32>
    %broadcast_in_dim3A_38 = vector.shape_cast %reduce_sum3A_37 : vector<1024xf32> to vector<1024x1xf32>
    %add3A_39 = arith.addf %add3A_28, %broadcast_in_dim3A_38 : vector<1024x1xf32>
    %get3A_40 = arith.constant 4 : index
    %get3A_41 = arith.constant 0 : index
    %get3A_42 = vector.load %arg0[%get3A_40, %get3A_41] : memref<16x1024xi32, #tpu.memory_space<vmem>>, vector<1x1024xi32>
    %eq3A_43 = vector.broadcast %get3A_42 : vector<1x1024xi32> to vector<1024x1024xi32>
    %eq3A_44 = arith.cmpi eq, %eq3A_43, %iota3A : vector<1024x1024xi32>
    %convert_element_type3A_45 = arith.extui %eq3A_44 : vector<1024x1024xi1> to vector<1024x1024xi32>
    %convert_element_type3A_46 = arith.sitofp %convert_element_type3A_45 : vector<1024x1024xi32> to vector<1024x1024xf32>
    %reduce_sum3A_47 = arith.constant dense<0.000000e+00> : vector<1024xf32>
    %reduce_sum3A_48 = vector.multi_reduction <add>, %convert_element_type3A_46, %reduce_sum3A_47 [1] : vector<1024x1024xf32> to vector<1024xf32>
    %broadcast_in_dim3A_49 = vector.shape_cast %reduce_sum3A_48 : vector<1024xf32> to vector<1024x1xf32>
    %add3A_50 = arith.addf %add3A_39, %broadcast_in_dim3A_49 : vector<1024x1xf32>
    %get3A_51 = arith.constant 5 : index
    %get3A_52 = arith.constant 0 : index
    %get3A_53 = vector.load %arg0[%get3A_51, %get3A_52] : memref<16x1024xi32, #tpu.memory_space<vmem>>, vector<1x1024xi32>
    %eq3A_54 = vector.broadcast %get3A_53 : vector<1x1024xi32> to vector<1024x1024xi32>
    %eq3A_55 = arith.cmpi eq, %eq3A_54, %iota3A : vector<1024x1024xi32>
    %convert_element_type3A_56 = arith.extui %eq3A_55 : vector<1024x1024xi1> to vector<1024x1024xi32>
    %convert_element_type3A_57 = arith.sitofp %convert_element_type3A_56 : vector<1024x1024xi32> to vector<1024x1024xf32>
    %reduce_sum3A_58 = arith.constant dense<0.000000e+00> : vector<1024xf32>
    %reduce_sum3A_59 = vector.multi_reduction <add>, %convert_element_type3A_57, %reduce_sum3A_58 [1] : vector<1024x1024xf32> to vector<1024xf32>
    %broadcast_in_dim3A_60 = vector.shape_cast %reduce_sum3A_59 : vector<1024xf32> to vector<1024x1xf32>
    %add3A_61 = arith.addf %add3A_50, %broadcast_in_dim3A_60 : vector<1024x1xf32>
    %get3A_62 = arith.constant 6 : index
    %get3A_63 = arith.constant 0 : index
    %get3A_64 = vector.load %arg0[%get3A_62, %get3A_63] : memref<16x1024xi32, #tpu.memory_space<vmem>>, vector<1x1024xi32>
    %eq3A_65 = vector.broadcast %get3A_64 : vector<1x1024xi32> to vector<1024x1024xi32>
    %eq3A_66 = arith.cmpi eq, %eq3A_65, %iota3A : vector<1024x1024xi32>
    %convert_element_type3A_67 = arith.extui %eq3A_66 : vector<1024x1024xi1> to vector<1024x1024xi32>
    %convert_element_type3A_68 = arith.sitofp %convert_element_type3A_67 : vector<1024x1024xi32> to vector<1024x1024xf32>
    %reduce_sum3A_69 = arith.constant dense<0.000000e+00> : vector<1024xf32>
    %reduce_sum3A_70 = vector.multi_reduction <add>, %convert_element_type3A_68, %reduce_sum3A_69 [1] : vector<1024x1024xf32> to vector<1024xf32>
    %broadcast_in_dim3A_71 = vector.shape_cast %reduce_sum3A_70 : vector<1024xf32> to vector<1024x1xf32>
    %add3A_72 = arith.addf %add3A_61, %broadcast_in_dim3A_71 : vector<1024x1xf32>
    %get3A_73 = arith.constant 7 : index
    %get3A_74 = arith.constant 0 : index
    %get3A_75 = vector.load %arg0[%get3A_73, %get3A_74] : memref<16x1024xi32, #tpu.memory_space<vmem>>, vector<1x1024xi32>
    %eq3A_76 = vector.broadcast %get3A_75 : vector<1x1024xi32> to vector<1024x1024xi32>
    %eq3A_77 = arith.cmpi eq, %eq3A_76, %iota3A : vector<1024x1024xi32>
    %convert_element_type3A_78 = arith.extui %eq3A_77 : vector<1024x1024xi1> to vector<1024x1024xi32>
    %convert_element_type3A_79 = arith.sitofp %convert_element_type3A_78 : vector<1024x1024xi32> to vector<1024x1024xf32>
    %reduce_sum3A_80 = arith.constant dense<0.000000e+00> : vector<1024xf32>
    %reduce_sum3A_81 = vector.multi_reduction <add>, %convert_element_type3A_79, %reduce_sum3A_80 [1] : vector<1024x1024xf32> to vector<1024xf32>
    %broadcast_in_dim3A_82 = vector.shape_cast %reduce_sum3A_81 : vector<1024xf32> to vector<1024x1xf32>
    %add3A_83 = arith.addf %add3A_72, %broadcast_in_dim3A_82 : vector<1024x1xf32>
    %get3A_84 = arith.constant 8 : index
    %get3A_85 = arith.constant 0 : index
    %get3A_86 = vector.load %arg0[%get3A_84, %get3A_85] : memref<16x1024xi32, #tpu.memory_space<vmem>>, vector<1x1024xi32>
    %eq3A_87 = vector.broadcast %get3A_86 : vector<1x1024xi32> to vector<1024x1024xi32>
    %eq3A_88 = arith.cmpi eq, %eq3A_87, %iota3A : vector<1024x1024xi32>
    %convert_element_type3A_89 = arith.extui %eq3A_88 : vector<1024x1024xi1> to vector<1024x1024xi32>
    %convert_element_type3A_90 = arith.sitofp %convert_element_type3A_89 : vector<1024x1024xi32> to vector<1024x1024xf32>
    %reduce_sum3A_91 = arith.constant dense<0.000000e+00> : vector<1024xf32>
    %reduce_sum3A_92 = vector.multi_reduction <add>, %convert_element_type3A_90, %reduce_sum3A_91 [1] : vector<1024x1024xf32> to vector<1024xf32>
    %broadcast_in_dim3A_93 = vector.shape_cast %reduce_sum3A_92 : vector<1024xf32> to vector<1024x1xf32>
    %add3A_94 = arith.addf %add3A_83, %broadcast_in_dim3A_93 : vector<1024x1xf32>
    %get3A_95 = arith.constant 9 : index
    %get3A_96 = arith.constant 0 : index
    %get3A_97 = vector.load %arg0[%get3A_95, %get3A_96] : memref<16x1024xi32, #tpu.memory_space<vmem>>, vector<1x1024xi32>
    %eq3A_98 = vector.broadcast %get3A_97 : vector<1x1024xi32> to vector<1024x1024xi32>
    %eq3A_99 = arith.cmpi eq, %eq3A_98, %iota3A : vector<1024x1024xi32>
    %convert_element_type3A_100 = arith.extui %eq3A_99 : vector<1024x1024xi1> to vector<1024x1024xi32>
    %convert_element_type3A_101 = arith.sitofp %convert_element_type3A_100 : vector<1024x1024xi32> to vector<1024x1024xf32>
    %reduce_sum3A_102 = arith.constant dense<0.000000e+00> : vector<1024xf32>
    %reduce_sum3A_103 = vector.multi_reduction <add>, %convert_element_type3A_101, %reduce_sum3A_102 [1] : vector<1024x1024xf32> to vector<1024xf32>
    %broadcast_in_dim3A_104 = vector.shape_cast %reduce_sum3A_103 : vector<1024xf32> to vector<1024x1xf32>
    %add3A_105 = arith.addf %add3A_94, %broadcast_in_dim3A_104 : vector<1024x1xf32>
    %get3A_106 = arith.constant 10 : index
    %get3A_107 = arith.constant 0 : index
    %get3A_108 = vector.load %arg0[%get3A_106, %get3A_107] : memref<16x1024xi32, #tpu.memory_space<vmem>>, vector<1x1024xi32>
    %eq3A_109 = vector.broadcast %get3A_108 : vector<1x1024xi32> to vector<1024x1024xi32>
    %eq3A_110 = arith.cmpi eq, %eq3A_109, %iota3A : vector<1024x1024xi32>
    %convert_element_type3A_111 = arith.extui %eq3A_110 : vector<1024x1024xi1> to vector<1024x1024xi32>
    %convert_element_type3A_112 = arith.sitofp %convert_element_type3A_111 : vector<1024x1024xi32> to vector<1024x1024xf32>
    %reduce_sum3A_113 = arith.constant dense<0.000000e+00> : vector<1024xf32>
    %reduce_sum3A_114 = vector.multi_reduction <add>, %convert_element_type3A_112, %reduce_sum3A_113 [1] : vector<1024x1024xf32> to vector<1024xf32>
    %broadcast_in_dim3A_115 = vector.shape_cast %reduce_sum3A_114 : vector<1024xf32> to vector<1024x1xf32>
    %add3A_116 = arith.addf %add3A_105, %broadcast_in_dim3A_115 : vector<1024x1xf32>
    %get3A_117 = arith.constant 11 : index
    %get3A_118 = arith.constant 0 : index
    %get3A_119 = vector.load %arg0[%get3A_117, %get3A_118] : memref<16x1024xi32, #tpu.memory_space<vmem>>, vector<1x1024xi32>
    %eq3A_120 = vector.broadcast %get3A_119 : vector<1x1024xi32> to vector<1024x1024xi32>
    %eq3A_121 = arith.cmpi eq, %eq3A_120, %iota3A : vector<1024x1024xi32>
    %convert_element_type3A_122 = arith.extui %eq3A_121 : vector<1024x1024xi1> to vector<1024x1024xi32>
    %convert_element_type3A_123 = arith.sitofp %convert_element_type3A_122 : vector<1024x1024xi32> to vector<1024x1024xf32>
    %reduce_sum3A_124 = arith.constant dense<0.000000e+00> : vector<1024xf32>
    %reduce_sum3A_125 = vector.multi_reduction <add>, %convert_element_type3A_123, %reduce_sum3A_124 [1] : vector<1024x1024xf32> to vector<1024xf32>
    %broadcast_in_dim3A_126 = vector.shape_cast %reduce_sum3A_125 : vector<1024xf32> to vector<1024x1xf32>
    %add3A_127 = arith.addf %add3A_116, %broadcast_in_dim3A_126 : vector<1024x1xf32>
    %get3A_128 = arith.constant 12 : index
    %get3A_129 = arith.constant 0 : index
    %get3A_130 = vector.load %arg0[%get3A_128, %get3A_129] : memref<16x1024xi32, #tpu.memory_space<vmem>>, vector<1x1024xi32>
    %eq3A_131 = vector.broadcast %get3A_130 : vector<1x1024xi32> to vector<1024x1024xi32>
    %eq3A_132 = arith.cmpi eq, %eq3A_131, %iota3A : vector<1024x1024xi32>
    %convert_element_type3A_133 = arith.extui %eq3A_132 : vector<1024x1024xi1> to vector<1024x1024xi32>
    %convert_element_type3A_134 = arith.sitofp %convert_element_type3A_133 : vector<1024x1024xi32> to vector<1024x1024xf32>
    %reduce_sum3A_135 = arith.constant dense<0.000000e+00> : vector<1024xf32>
    %reduce_sum3A_136 = vector.multi_reduction <add>, %convert_element_type3A_134, %reduce_sum3A_135 [1] : vector<1024x1024xf32> to vector<1024xf32>
    %broadcast_in_dim3A_137 = vector.shape_cast %reduce_sum3A_136 : vector<1024xf32> to vector<1024x1xf32>
    %add3A_138 = arith.addf %add3A_127, %broadcast_in_dim3A_137 : vector<1024x1xf32>
    %get3A_139 = arith.constant 13 : index
    %get3A_140 = arith.constant 0 : index
    %get3A_141 = vector.load %arg0[%get3A_139, %get3A_140] : memref<16x1024xi32, #tpu.memory_space<vmem>>, vector<1x1024xi32>
    %eq3A_142 = vector.broadcast %get3A_141 : vector<1x1024xi32> to vector<1024x1024xi32>
    %eq3A_143 = arith.cmpi eq, %eq3A_142, %iota3A : vector<1024x1024xi32>
    %convert_element_type3A_144 = arith.extui %eq3A_143 : vector<1024x1024xi1> to vector<1024x1024xi32>
    %convert_element_type3A_145 = arith.sitofp %convert_element_type3A_144 : vector<1024x1024xi32> to vector<1024x1024xf32>
    %reduce_sum3A_146 = arith.constant dense<0.000000e+00> : vector<1024xf32>
    %reduce_sum3A_147 = vector.multi_reduction <add>, %convert_element_type3A_145, %reduce_sum3A_146 [1] : vector<1024x1024xf32> to vector<1024xf32>
    %broadcast_in_dim3A_148 = vector.shape_cast %reduce_sum3A_147 : vector<1024xf32> to vector<1024x1xf32>
    %add3A_149 = arith.addf %add3A_138, %broadcast_in_dim3A_148 : vector<1024x1xf32>
    %get3A_150 = arith.constant 14 : index
    %get3A_151 = arith.constant 0 : index
    %get3A_152 = vector.load %arg0[%get3A_150, %get3A_151] : memref<16x1024xi32, #tpu.memory_space<vmem>>, vector<1x1024xi32>
    %eq3A_153 = vector.broadcast %get3A_152 : vector<1x1024xi32> to vector<1024x1024xi32>
    %eq3A_154 = arith.cmpi eq, %eq3A_153, %iota3A : vector<1024x1024xi32>
    %convert_element_type3A_155 = arith.extui %eq3A_154 : vector<1024x1024xi1> to vector<1024x1024xi32>
    %convert_element_type3A_156 = arith.sitofp %convert_element_type3A_155 : vector<1024x1024xi32> to vector<1024x1024xf32>
    %reduce_sum3A_157 = arith.constant dense<0.000000e+00> : vector<1024xf32>
    %reduce_sum3A_158 = vector.multi_reduction <add>, %convert_element_type3A_156, %reduce_sum3A_157 [1] : vector<1024x1024xf32> to vector<1024xf32>
    %broadcast_in_dim3A_159 = vector.shape_cast %reduce_sum3A_158 : vector<1024xf32> to vector<1024x1xf32>
    %add3A_160 = arith.addf %add3A_149, %broadcast_in_dim3A_159 : vector<1024x1xf32>
    %get3A_161 = arith.constant 15 : index
    %get3A_162 = arith.constant 0 : index
    %get3A_163 = vector.load %arg0[%get3A_161, %get3A_162] : memref<16x1024xi32, #tpu.memory_space<vmem>>, vector<1x1024xi32>
    %eq3A_164 = vector.broadcast %get3A_163 : vector<1x1024xi32> to vector<1024x1024xi32>
    %eq3A_165 = arith.cmpi eq, %eq3A_164, %iota3A : vector<1024x1024xi32>
    %convert_element_type3A_166 = arith.extui %eq3A_165 : vector<1024x1024xi1> to vector<1024x1024xi32>
    %convert_element_type3A_167 = arith.sitofp %convert_element_type3A_166 : vector<1024x1024xi32> to vector<1024x1024xf32>
    %reduce_sum3A_168 = arith.constant dense<0.000000e+00> : vector<1024xf32>
    %reduce_sum3A_169 = vector.multi_reduction <add>, %convert_element_type3A_167, %reduce_sum3A_168 [1] : vector<1024x1024xf32> to vector<1024xf32>
    %broadcast_in_dim3A_170 = vector.shape_cast %reduce_sum3A_169 : vector<1024xf32> to vector<1024x1xf32>
    %add3A_171 = arith.addf %add3A_160, %broadcast_in_dim3A_170 : vector<1024x1xf32>
    %slice3A = vector.extract_strided_slice %add3A_171 {offsets = [0, 0], sizes = [1000, 1], strides = [1, 1]} : vector<1024x1xf32> to vector<1000x1xf32>
    %get3A_172 = arith.constant 0 : index
    %get3A_173 = arith.constant 0 : index
    %get3A_174 = vector.load %arg1[%get3A_172, %get3A_173] : memref<1000x256xf32, #tpu.memory_space<vmem>>, vector<1000x256xf32>
    %dot_general3A = arith.constant dense<0.000000e+00> : vector<1x256xf32>
    %dot_general3A_175 = tpu.matmul %slice3A, %get3A_174, %dot_general3A {dimension_numbers = #tpu.dot_dimension_numbers<[0], [0], [1], [1], [0, 1, 1, 1], [], []>, transpose_lhs_hint = false} : vector<1000x1xf32>, vector<1000x256xf32>, vector<1x256xf32> -> vector<1x256xf32>
    %swap3A = arith.constant 0 : index
    %swap3A_176 = arith.constant 0 : index
    %swap3A_177 = vector.load %arg2[%swap3A, %swap3A_176] : memref<1x256xf32, #tpu.memory_space<vmem>>, vector<1x256xf32>
    tpu.vector_store %arg2[%swap3A, %swap3A_176], %dot_general3A_175 {strides = array<i32>} : memref<1x256xf32, #tpu.memory_space<vmem>>, vector<1x256xf32>,
    return
  }
}

</mosaic_0001>

<sc_bundles>
// kernel: kernel.5.cloned.1.call-start
scs
__scs_entry_jumppad:
0x0: {  	(pc) =	sbr.rel $0x88, $3  }
0x1: {  	(tag) =	ssettag $0x0;
	lr =	simm.s32 $0x1  }
0x2: {  	[smem:$0x3F9B] =	sst lr;
	_ =	strace $0xD0000000  }
0x3: {  	_ = 	snop  }
0x4: {  	_ = 	snop  }
0x5: {  	_ = 	snop  }
0x6: {  	_ = 	snop  }
0x7: {  	_ = 	snop  }
__scs_overlays_trampoline_lowered:
0x8: {  	[smem:$0x3FAA] =	sst s0  }
0x9: {  	[smem:$0x3FAB] =	sst s1  }
0xa: {  	[smem:$0x3FAC] =	sst s2  }
0xb: {  	[smem:$0x3FAD] =	sst s3  }
0xc: {  	[smem:$0x3FAE] =	sst s4  }
0xd: {  	[smem:$0x3FAF] =	sst s5  }
0xe: {  	[smem:$0x3FB0] =	sst s6  }
0xf: {  	[smem:$0x3FB1] =	sst s7  }
0x10: {  	[smem:$0x3FB2] =	sst s8  }
0x11: {  	[smem:$0x3FB3] =	sst s9;
	s0 =	simm.s32 @!p0 $0x0  }
0x12: {  	s1 =	sld [smem:$0x3F99];
	s0 =	simm.s32 @p0 $0x1  }
0x13: {  	[smem:$0x3FB4] =	sst s0;
	s0 =	simm.s32 @!p1 $0x0  }
0x14: {  	s2 =	sld [smem:$0x3F98];
	s0 =	simm.s32 @p1 $0x1  }
0x15: {  	[smem:$0x3FB5] =	sst s0;
	s0 =	simm.s32 @!p2 $0x0  }
0x16: {  	s3 =	sld [smem:$0x3FDB];
	s0 =	simm.s32 @p2 $0x1  }
0x17: {  	s4 =	simm.s32 $0x1BF5;
	[smem:$0x3FB7] =	sst s0  }
0x18: {  	s0 =	sld [smem:$0x3F9A];
	_ =	swait.ge [sflag:s4], $0x0  }
0x19: {  	s7 =	sld [smem:$0x3F9B]  }
0x1a: {  	s8 =	sadd.s32 $0xFFFFE003, lr  }
0x1b: {  	s9 =	sadd.s32 $0xFFFFFEF7, lr;
	s5 =	simm.s32 $0xFFFFFFFF;
	p2 =	slt.u32 s8, $0xFFFFF086  }
0x1c: {  	p1 =	slt.u32 s9, $0xF7A;
	s5 =	simm.s32 @!p2 $0x0  }
0x1d: {  	s5 =	simm.s32 @p1 $0x1;
	p0 =	seq.s32 s7, s2  }
0x1e: {  	s7 =	smul.u32 @!p0 $0xF7A, s2;
	p2 =	seq.s32 @!p0 s5, $0x0  }
0x1f: {  	s9 =	smul.u32 $0xF7A, s1;
	s8 =	simm.s32 @!p0 $0x1BF5;
	p2 =	por !p2, p0  }
0x20: {  	[sflag:s8] =	ssyncset.s32 @!p0 $0xFFFFF086;
	s6 =	sadd.s32 @!p0 s3, s7;
	s7 =	simm.s32 @!p0 $0x108  }
0x21: {  	s3 =	sadd.s32 s3, s9;
	s6 =	sadd.s32 @!p0 $0x88, s6;
	s7 =	simm.s32 @p2 $0x1082  }
0x22: {  	[simem:s7], [sflag:s8] =	dma.local @!p0 [hbm:s6], $0xF7A  }
0x23: {  	s9 =	sor.u32 $0xD0000000, s2;
	s6 =	simm.s32 $0x108;
	_ =	swait.ge @!p0 [sflag:s8], $0x0  }
0x24: {  	s3 =	sadd.s32 $0x88, s3;
	s6 =	simm.s32 @!p1 $0x1082;
	[sflag:s4] =	ssyncset.s32 $0xFFFFF086  }
0x25: {  	[simem:s6], [sflag:s4] =	dma.local [hbm:s3], $0xF7A  }
0x26: {  	[smem:$0x3F9B] =	sst s1;
	(tag) =	ssettag s2;
	_ =	strace s9  }
0x27: {  	s1 =	sld [smem:$0x3FAB]  }
0x28: {  	s2 =	sld [smem:$0x3FAC]  }
0x29: {  	s4 =	sld [smem:$0x3FAE]  }
0x2a: {  	p0 =	seq.s32 s5, $0x0;
	s5 =	sld [smem:$0x3FAF]  }
0x2b: {  	s6 =	sld [smem:$0x3FB0]  }
0x2c: {  	s7 =	sld [smem:$0x3FB1]  }
0x2d: {  	s3 =	simm.s32 $0x108;
	s8 =	sld [smem:$0x3FB2]  }
0x2e: {  	s3 =	simm.s32 @!p0 $0x1082;
	s9 =	sld [smem:$0x3FB3]  }
0x2f: {  	lr =	sadd.s32 s0, s3;
	s0 =	sld [smem:$0x3FAA]  }
0x30: {  	s3 =	sld [smem:$0x3FAD]  }
0x31: {  	[smem:$0x3FB6] =	sst s10  }
0x32: {  	s10 =	sld [smem:$0x3FB4];
	_ =	sdelay $0x3  }
0x33: {  	p0 =	seq.s32 s10, $0x1;
	s10 =	sld [smem:$0x3FB6];
	_ =	sdelay $0x3  }
0x34: {  	[smem:$0x3FB6] =	sst s10  }
0x35: {  	s10 =	sld [smem:$0x3FB5];
	_ =	sdelay $0x3  }
0x36: {  	p1 =	seq.s32 s10, $0x1;
	s10 =	sld [smem:$0x3FB6];
	_ =	sdelay $0x3  }
0x37: {  	[smem:$0x3FB6] =	sst s10  }
0x38: {  	s10 =	sld [smem:$0x3FB7]  }
0x39: {  	_ = 	snop;
	(pc) =	sbr.ind lr, $3  }
0x3a: {  	_ = 	snop  }
0x3b: {  	_ = 	snop  }
0x3c: {  	p2 =	seq.s32 s10, $0x1;
	s10 =	sld [smem:$0x3FB6]  }
0x3d: {  	_ =	shalt  }
0x3e: {  	_ =	shalt  }
0x3f: {  	_ =	shalt  }
0x40: {  	_ =	shalt  }
0x41: {  	_ =	shalt  }
0x42: {  	_ =	shalt  }
0x43: {  	_ =	shalt  }
0x44: {  	_ =	shalt  }
0x45: {  	_ =	shalt  }
0x46: {  	_ =	shalt  }
0x47: {  	_ =	shalt  }
0x48: {  	_ =	shalt  }
0x49: {  	_ =	shalt  }
0x4a: {  	_ =	shalt  }
0x4b: {  	_ =	shalt  }
0x4c: {  	_ =	shalt  }
0x4d: {  	_ =	shalt  }
0x4e: {  	_ =	shalt  }
0x4f: {  	_ =	shalt  }
0x50: {  	_ =	shalt  }
0x51: {  	_ =	shalt  }
0x52: {  	_ =	shalt  }
0x53: {  	_ =	shalt  }
0x54: {  	_ =	shalt  }
0x55: {  	_ =	shalt  }
0x56: {  	_ =	shalt  }
0x57: {  	_ =	shalt  }
0x58: {  	_ =	shalt  }
0x59: {  	_ =	shalt  }
0x5a: {  	_ =	shalt  }
0x5b: {  	_ =	shalt  }
0x5c: {  	_ =	shalt  }
0x5d: {  	_ =	shalt  }
0x5e: {  	_ =	shalt  }
0x5f: {  	_ =	shalt  }
0x60: {  	_ =	shalt  }
0x61: {  	_ =	shalt  }
0x62: {  	_ =	shalt  }
0x63: {  	_ =	shalt  }
0x64: {  	_ =	shalt  }
0x65: {  	_ =	shalt  }
0x66: {  	_ =	shalt  }
0x67: {  	_ =	shalt  }
0x68: {  	_ =	shalt  }
0x69: {  	_ =	shalt  }
0x6a: {  	_ =	shalt  }
0x6b: {  	_ =	shalt  }
0x6c: {  	_ =	shalt  }
0x6d: {  	_ =	shalt  }
0x6e: {  	_ =	shalt  }
0x6f: {  	_ =	shalt  }
0x70: {  	_ =	shalt  }
0x71: {  	_ =	shalt  }
0x72: {  	_ =	shalt  }
0x73: {  	_ =	shalt  }
0x74: {  	_ =	shalt  }
0x75: {  	_ =	shalt  }
0x76: {  	_ =	shalt  }
0x77: {  	_ =	shalt  }
0x78: {  	_ =	shalt  }
0x79: {  	_ =	shalt  }
0x7a: {  	_ =	shalt  }
0x7b: {  	_ =	shalt  }
0x7c: {  	_ =	shalt  }
0x7d: {  	_ =	shalt  }
0x7e: {  	_ =	shalt  }
0x7f: {  	_ =	shalt  }
0x80: {  	_ =	shalt  }
0x81: {  	_ =	shalt  }
0x82: {  	_ =	shalt  }
0x83: {  	_ =	shalt  }
0x84: {  	_ =	shalt  }
0x85: {  	_ =	shalt  }
0x86: {  	_ =	shalt  }
0x87: {  	_ =	shalt  }
.Lfunc_end0:
.L_simem_size_0:
called_computation_lowered:
.L_overlay_start_0:
0x88: {  	s2 =	sld [smem:$0x3FD9]  }
0x89: {  	s3 =	sld [smem:$0x3FFE];
	_ =	sdelay $0x1  }
0x8a: {  	s1 =	srdreg.scid  }
0x8b: {  	s0 =	sand.u32 $0x1, s1  }
0x8c: {  	s17 =	sshll.u32 s0, $0xA;
	s2 =	sadd.s32 s3, s2  }
0x8d: {  	s2 =	sadd.s32 s2, s17  }
0x8e: {  	[smem:$0x3FC2] =	sst s2  }
0x8f: {  	_ = 	snop  }
0x90: {  	s2 =	sld [smem:$0x3FC9]  }
0x91: {  	s18 =	sld [smem:$0x3FC7];
	(tm) =	ssettm $0x1  }
0x92: {  	s4 =	sld [smem:$0x3FFB];
	_ =	sdelay $0x3  }
0x93: {  	_ =	strace s4  }
0x94: {  	s4 =	sld [smem:$0x3FFC];
	_ =	sdelay $0x3  }
0x95: {  	_ =	strace s4  }
0x96: {  	s4 =	sld [smem:$0x3FFD];
	_ =	sdelay $0x3  }
0x97: {  	_ =	strace s4  }
0x98: {  	_ =	strace $0x8FFFFFFF  }
0x99: {  	s19 =	sld [smem:$0x3FDB];
	_ =	sdelay $0x1  }
0x9a: {  	s5 =	simm.s32 $_scs_section_size  }
0x9b: {  	s6 =	simm.s32 $_size__tile_overlayer_lowered;
	s7 =	simm.s32 $_tile_overlayer_lowered  }
0x9c: {  	s22 =	simm.s32 $0x1BFF;
	s21 =	sshll.u32 s7, $0x1;
	s4 =	sadd.s32 s5, s19  }
0x9d: {  	s8 =	simm.s32 $0x0;
	s20 =	sshll.u32 s6, $0x1;
	s6 =	sadd.s32 s21, s4  }
0x9e: {  	[timem:s8], [sflag:s22] =	dma.local [hbm:s6], s20  }
0x9f: {  	_ =	swait.ge [sflag:s22], s20  }
0xa0: {  	s5 =	ssub.s32 $0x0, s20;
	[sflag:s22] =	ssyncset.done $0x0  }
0xa1: {  	[sflag:s22] =	ssyncadd.s32 s5;
	_ =	sdelay $0x1  }
0xa2: {  	s23 =	simm.s32 $0x1B8B  }
0xa3: {  	_ =	swait.ge [sflag:s23], $0x1  }
0xa4: {  	[sflag:s23] =	ssyncset.done $0x0  }
0xa5: {  	s25 =	simm.s32 $0x1B8E;
	s24 =	sld [smem:$0x3FFE];
	[sflag:s23] =	ssyncadd.s32 $0xFFFFFFFF  }
0xa6: {  	s26 =	simm.s32 $execute0_lowered;
	[smem:$0x3FD2] =	sst s25  }
0xa7: {  	s6 =	sshll.u32 s26, $0x1;
	_ =	strace $0x80000046;
	[dreg:$0x1] =	wrdreg $0xFFFFFFFF  }
0xa8: {  	s28 =	simm.s32 $_size_execute0_lowered;
	s4 =	sadd.s32 s4, s6;
	[dreg:$0x0] =	wrdreg $0x0  }
0xa9: {  	s6 =	sshll.u32 s28, $0x1;
	[dreg:$0x2] =	wrdreg s4  }
0xaa: {  	[dreg:$0x3] =	wrdreg s6  }
0xab: {  	[dreg:$0x4] =	wrdreg $0xC0  }
0xac: {  	_ =	task [dreg:s8], $0x5FFFF  }
0xad: {  	[dreg:$0x1] =	wrdreg $0xFFFFFFFF  }
0xae: {  	[dreg:$0x0] =	wrdreg $0x60  }
0xaf: {  	[dreg:$0x2] =	wrdreg s2  }
0xb0: {  	[dreg:$0x3] =	wrdreg s18  }
0xb1: {  	[dreg:$0x4] =	wrdreg s24  }
0xb2: {  	[dreg:$0x5] =	wrdreg $0x9  }
0xb3: {  	_ =	task.clear_ibuf [dreg:s8], $0x6FFFF;
	_ =	strace $0x90000046  }
0xb4: {  	s29 =	simm.s32 $0x9;
	_ =	strace $0x80000048  }
0xb5: {  	_ =	swait.ge [sflag:s29], $0x1  }
0xb6: {  	[sflag:s29] =	ssyncadd.s32 $0xFFFFFFFF  }
0xb7: {  	_ =	strace $0x90000048  }
0xb8: {  	_ =	sfence  }
0xb9: {  	s30 =	sld [smem:$0x0];
	_ =	sdelay $0x2  }
0xba: {  	s31 =	sshll.u32 s1, $0xD;
	s1 =	sshrl.u32 s1, $0x2  }
0xbb: {  	s3 =	sand.u32 $0x4000, s31;
	s1 =	sadd.s32 s1, s30  }
0xbc: {  	s0 =	sor.u32 s3, s0;
	s1 =	sshll.u32 s1, $0x11  }
0xbd: {  	s0 =	sor.u32 s1, s0  }
0xbe: {  	s0 =	sadd.s32 $0x8F2B, s0  }
0xbf: {  	[sflag:s0] =	ssyncadd.remote.s32 $0x1  }
0xc0: {  	_ =	sfence.sel $0xFFFF  }
0xc1: {  	[dreg:$0x0] =	wrdreg $0xFFFFFFFF;
	(pc) =	sbr.abs _section_cstart, $3  }
0xc2: {  	[dreg:$0x1] =	wrdreg $0xFFFFFFFF  }
0xc3: {  	_ =	task.clear_ibuf [dreg:s8], $0x2FFFF;
	_ =	strace $0x9FFFFFFF  }
0xc4: {  	(tm) =	ssettm $0x7FFFFFFF  }
0xc5: {  	_ =	shalt  }
tec
execute0_lowered:
.L_overlay_start_1:
0x0: {  	(tag) =	ssettag $0x1  }
0x1: {  	s0 =	rddreg [dreg:$0x0]  }
0x2: {  	s2 =	rddreg [dreg:$0x1]  }
0x3: {  	s1 =	rddreg [dreg:$0x2]  }
0x4: {  	s6 =	stileid.u32;
	s4 =	srdreg.scid;
	s3 =	simm.s32 $0x0  }
0x5: {  	s28 =	simm.s32 $0x9A00;
	s29 =	simm.s32 $0xA200;
	s30 =	simm.s32 $0xAA00  }
0x6: {  	s31 =	simm.s32 $0xB200;
	s8 =	simm.s32 $0xCA00;
	s9 =	simm.s32 $0xD200  }
0x7: {  	s10 =	simm.s32 $0xDA00;
	s11 =	simm.s32 $0xE200;
	s12 =	simm.s32 $0xEA00  }
0x8: {  	s13 =	simm.s32 $0xF200;
	s14 =	simm.s32 $0xFA00;
	s15 =	simm.s32 $0x1  }
0x9: {  	s16 =	simm.s32 $0x2;
	s17 =	simm.s32 $0x3;
	s18 =	simm.s32 $0x4  }
0xa: {  	s19 =	simm.s32 $0x0;
	s4 =	sand.u32 $0x1, s4;
	s5 =	sshll.u32 s6, $0x1  }
0xb: {  	[smem:$0x7FF] =	sst s3;
	s6 =	sshll.u32 s6, $0x6;
	s5 =	sor.u32 s4, s5  }
0xc: {  	_ =	strace $0x80000047;
	s6 =	sand.u32 $0x300, s6;
	s4 =	ssub.s32 $0x2, s4  }
0xd: {  	s7 =	sshll.u32 s5, $0x4;
	s1 =	sadd.s32 s6, s1;
	s25 =	sshrl.u32 s4, $0x1  }
0xe: {  	s5 =	sshll.u32 s5, $0x6;
	s24 =	sand.u32 $0x70, s7;
	s26 =	ssub.s32 s4, s25  }
0xf: {  	v2 =	vlaneseq.u32;
	s4 =	sadd.s32 s0, s5;
	s7 =	simm.s32 $0x5;
	s25 =	simm.s32 $0x8A00  }
0x10: {  	vm0 =	vmmov $0xffff;
	v1 =	vshrl.u32 v2, $0x3;
	s0 =	simm.s32 $0xBA00;
	s1 =	sadd.s32 s24, s1;
	s6 =	smax.u32 s26, $0x1  }
0x11: {  	v0 =	vand.u32 $0x7, v2;
	v2 =	vor.u32 $0x8, v2;
	v1 =	vmul.u32 $0x8, v1;
	s26 =	simm.s32 $0x9200;
	s5 =	sadd.s32 $0xE00, s1;
	s1 =	simm.s32 $0xC200  }
.LBB2_1:
0x12: {  	[tilespmem:s3], [sflag:$0x5] =	stream.linear.gather [hbm4b:s4+s3], $0x200, $0x38;
	[tilespmem:$0x10300] =	vst v63  }
0x13: {  	_ =	swait.ge [sflag:s7], $0x200  }
0x14: {  	[sflag:s7] =	ssyncset.done $0x0  }
0x15: {  	[sflag:s7] =	ssyncadd.s32 $0xFFFFFE00  }
0x16: {  	v3 =	vld [tilespmem:$0x0];
	_ =	sdelay $0x4  }
0x17: {  	v4 =	vshll.u32 v3, $0x1  }
0x18: {  	v3 =	vand.u32 $0x7, v3;
	v4 =	vand.u32 $0xFFFFFFF0, v4  }
0x19: {  	v3 =	vor.u32 v3, v4  }
0x1a: {  	v4 =	vperm.xlane v3, v0;
	_ =	sdelay $0x1  }
0x1b: {  	v3 =	vperm.xlane v3, v2;
	v4 =	vadd.s32 v1, v4;
	_ =	sdelay $0x1  }
0x1c: {  	v3 =	vadd.s32 v1, v3;
	_ =	sdelay $0x1  }
0x1d: {  	s20 =	simm.s32 $0x200  }
0x1e: {  	[tilespmem:s20], [sflag:$0x1] =	stream.indirect_vreg.gather [hbm4b:s2+s3], $0x80, v4, vm0, $0xb8;
	[tilespmem:$0x10300] =	vst v63  }
0x1f: {  	s24 =	simm.s32 $0xA00  }
0x20: {  	[tilespmem:s24], [sflag:$0x1] =	stream.indirect_vreg.gather [hbm4b:s2+s3], $0x80, v3, vm0, $0xb8;
	[tilespmem:$0x10300] =	vst v63  }
0x21: {  	v3 =	vld [tilespmem:$0x10];
	_ =	sdelay $0x4  }
0x22: {  	v4 =	vshll.u32 v3, $0x1  }
0x23: {  	v3 =	vand.u32 $0x7, v3;
	v4 =	vand.u32 $0xFFFFFFF0, v4  }
0x24: {  	v3 =	vor.u32 v3, v4  }
0x25: {  	v4 =	vperm.xlane v3, v0;
	_ =	sdelay $0x1  }
0x26: {  	v3 =	vperm.xlane v3, v2;
	v4 =	vadd.s32 v1, v4;
	_ =	sdelay $0x1  }
0x27: {  	v3 =	vadd.s32 v1, v3;
	_ =	sdelay $0x1  }
0x28: {  	s21 =	simm.s32 $0x1200  }
0x29: {  	[tilespmem:s21], [sflag:$0x1] =	stream.indirect_vreg.gather [hbm4b:s2+s3], $0x80, v4, vm0, $0xb8;
	[tilespmem:$0x10300] =	vst v63  }
0x2a: {  	s22 =	simm.s32 $0x1A00  }
0x2b: {  	[tilespmem:s22], [sflag:$0x1] =	stream.indirect_vreg.gather [hbm4b:s2+s3], $0x80, v3, vm0, $0xb8;
	[tilespmem:$0x10300] =	vst v63  }
0x2c: {  	v3 =	vld [tilespmem:$0x20];
	_ =	sdelay $0x4  }
0x2d: {  	v4 =	vshll.u32 v3, $0x1  }
0x2e: {  	v3 =	vand.u32 $0x7, v3;
	v4 =	vand.u32 $0xFFFFFFF0, v4  }
0x2f: {  	v3 =	vor.u32 v3, v4  }
0x30: {  	v4 =	vperm.xlane v3, v0;
	_ =	sdelay $0x1  }
0x31: {  	v3 =	vperm.xlane v3, v2;
	v4 =	vadd.s32 v1, v4;
	_ =	sdelay $0x1  }
0x32: {  	v3 =	vadd.s32 v1, v3;
	_ =	sdelay $0x1  }
0x33: {  	s23 =	simm.s32 $0x2200  }
0x34: {  	[tilespmem:s23], [sflag:$0x1] =	stream.indirect_vreg.gather [hbm4b:s2+s3], $0x80, v4, vm0, $0xb8;
	[tilespmem:$0x10300] =	vst v63  }
0x35: {  	s24 =	simm.s32 $0x2A00  }
0x36: {  	[tilespmem:s24], [sflag:$0x1] =	stream.indirect_vreg.gather [hbm4b:s2+s3], $0x80, v3, vm0, $0xb8;
	[tilespmem:$0x10300] =	vst v63  }
0x37: {  	v3 =	vld [tilespmem:$0x30];
	_ =	sdelay $0x4  }
0x38: {  	v4 =	vshll.u32 v3, $0x1  }
0x39: {  	v3 =	vand.u32 $0x7, v3;
	v4 =	vand.u32 $0xFFFFFFF0, v4  }
0x3a: {  	v3 =	vor.u32 v3, v4  }
0x3b: {  	v4 =	vperm.xlane v3, v0;
	_ =	sdelay $0x1  }
0x3c: {  	v3 =	vperm.xlane v3, v2;
	v4 =	vadd.s32 v1, v4;
	_ =	sdelay $0x1  }
0x3d: {  	v3 =	vadd.s32 v1, v3;
	_ =	sdelay $0x1  }
0x3e: {  	s21 =	simm.s32 $0x3200  }
0x3f: {  	[tilespmem:s21], [sflag:$0x1] =	stream.indirect_vreg.gather [hbm4b:s2+s3], $0x80, v4, vm0, $0xb8;
	[tilespmem:$0x10300] =	vst v63  }
0x40: {  	s22 =	simm.s32 $0x3A00  }
0x41: {  	[tilespmem:s22], [sflag:$0x1] =	stream.indirect_vreg.gather [hbm4b:s2+s3], $0x80, v3, vm0, $0xb8;
	[tilespmem:$0x10300] =	vst v63  }
0x42: {  	v3 =	vld [tilespmem:$0x40];
	_ =	sdelay $0x4  }
0x43: {  	v4 =	vshll.u32 v3, $0x1  }
0x44: {  	v3 =	vand.u32 $0x7, v3;
	v4 =	vand.u32 $0xFFFFFFF0, v4  }
0x45: {  	v3 =	vor.u32 v3, v4  }
0x46: {  	v4 =	vperm.xlane v3, v0;
	_ =	sdelay $0x1  }
0x47: {  	v3 =	vperm.xlane v3, v2;
	v4 =	vadd.s32 v1, v4;
	_ =	sdelay $0x1  }
0x48: {  	v3 =	vadd.s32 v1, v3;
	_ =	sdelay $0x1  }
0x49: {  	s23 =	simm.s32 $0x4200  }
0x4a: {  	[tilespmem:s23], [sflag:$0x2] =	stream.indirect_vreg.gather [hbm4b:s2+s3], $0x80, v4, vm0, $0xb8;
	[tilespmem:$0x10300] =	vst v63  }
0x4b: {  	s24 =	simm.s32 $0x4A00  }
0x4c: {  	[tilespmem:s24], [sflag:$0x2] =	stream.indirect_vreg.gather [hbm4b:s2+s3], $0x80, v3, vm0, $0xb8;
	[tilespmem:$0x10300] =	vst v63  }
0x4d: {  	v3 =	vld [tilespmem:$0x50];
	_ =	sdelay $0x4  }
0x4e: {  	v4 =	vshll.u32 v3, $0x1  }
0x4f: {  	v3 =	vand.u32 $0x7, v3;
	v4 =	vand.u32 $0xFFFFFFF0, v4  }
0x50: {  	v3 =	vor.u32 v3, v4  }
0x51: {  	v4 =	vperm.xlane v3, v0;
	_ =	sdelay $0x1  }
0x52: {  	v3 =	vperm.xlane v3, v2;
	v4 =	vadd.s32 v1, v4;
	_ =	sdelay $0x1  }
0x53: {  	v3 =	vadd.s32 v1, v3;
	_ =	sdelay $0x1  }
0x54: {  	s21 =	simm.s32 $0x5200  }
0x55: {  	[tilespmem:s21], [sflag:$0x2] =	stream.indirect_vreg.gather [hbm4b:s2+s3], $0x80, v4, vm0, $0xb8;
	[tilespmem:$0x10300] =	vst v63  }
0x56: {  	s22 =	simm.s32 $0x5A00  }
0x57: {  	[tilespmem:s22], [sflag:$0x2] =	stream.indirect_vreg.gather [hbm4b:s2+s3], $0x80, v3, vm0, $0xb8;
	[tilespmem:$0x10300] =	vst v63  }
0x58: {  	v3 =	vld [tilespmem:$0x60];
	_ =	sdelay $0x4  }
0x59: {  	v4 =	vshll.u32 v3, $0x1  }
0x5a: {  	v3 =	vand.u32 $0x7, v3;
	v4 =	vand.u32 $0xFFFFFFF0, v4  }
0x5b: {  	v3 =	vor.u32 v3, v4  }
0x5c: {  	v4 =	vperm.xlane v3, v0;
	_ =	sdelay $0x1  }
0x5d: {  	v3 =	vperm.xlane v3, v2;
	v4 =	vadd.s32 v1, v4;
	_ =	sdelay $0x1  }
0x5e: {  	v3 =	vadd.s32 v1, v3;
	_ =	sdelay $0x1  }
0x5f: {  	s23 =	simm.s32 $0x6200  }
0x60: {  	[tilespmem:s23], [sflag:$0x2] =	stream.indirect_vreg.gather [hbm4b:s2+s3], $0x80, v4, vm0, $0xb8;
	[tilespmem:$0x10300] =	vst v63  }
0x61: {  	s24 =	simm.s32 $0x6A00  }
0x62: {  	[tilespmem:s24], [sflag:$0x2] =	stream.indirect_vreg.gather [hbm4b:s2+s3], $0x80, v3, vm0, $0xb8;
	[tilespmem:$0x10300] =	vst v63  }
0x63: {  	v3 =	vld [tilespmem:$0x70];
	_ =	sdelay $0x4  }
0x64: {  	v4 =	vshll.u32 v3, $0x1  }
0x65: {  	v3 =	vand.u32 $0x7, v3;
	v4 =	vand.u32 $0xFFFFFFF0, v4  }
0x66: {  	v3 =	vor.u32 v3, v4  }
0x67: {  	v4 =	vperm.xlane v3, v0;
	_ =	sdelay $0x1  }
0x68: {  	v3 =	vperm.xlane v3, v2;
	v4 =	vadd.s32 v1, v4;
	_ =	sdelay $0x1  }
0x69: {  	v3 =	vadd.s32 v1, v3;
	_ =	sdelay $0x1  }
0x6a: {  	s21 =	simm.s32 $0x7200  }
0x6b: {  	[tilespmem:s21], [sflag:$0x2] =	stream.indirect_vreg.gather [hbm4b:s2+s3], $0x80, v4, vm0, $0xb8;
	[tilespmem:$0x10300] =	vst v63  }
0x6c: {  	s22 =	simm.s32 $0x7A00  }
0x6d: {  	[tilespmem:s22], [sflag:$0x2] =	stream.indirect_vreg.gather [hbm4b:s2+s3], $0x80, v3, vm0, $0xb8;
	[tilespmem:$0x10300] =	vst v63  }
0x6e: {  	v3 =	vld [tilespmem:$0x80];
	_ =	sdelay $0x4  }
0x6f: {  	v4 =	vshll.u32 v3, $0x1  }
0x70: {  	v3 =	vand.u32 $0x7, v3;
	v4 =	vand.u32 $0xFFFFFFF0, v4  }
0x71: {  	v3 =	vor.u32 v3, v4  }
0x72: {  	v4 =	vperm.xlane v3, v0;
	_ =	sdelay $0x1  }
0x73: {  	v3 =	vperm.xlane v3, v2;
	v4 =	vadd.s32 v1, v4;
	_ =	sdelay $0x1  }
0x74: {  	v3 =	vadd.s32 v1, v3;
	_ =	sdelay $0x1  }
0x75: {  	s23 =	simm.s32 $0x8200  }
0x76: {  	[tilespmem:s23], [sflag:$0x3] =	stream.indirect_vreg.gather [hbm4b:s2+s3], $0x80, v4, vm0, $0xb8;
	[tilespmem:$0x10300] =	vst v63  }
0x77: {  	_ = 	snop  }
0x78: {  	[tilespmem:s25], [sflag:$0x3] =	stream.indirect_vreg.gather [hbm4b:s2+s3], $0x80, v3, vm0, $0xb8;
	[tilespmem:$0x10300] =	vst v63  }
0x79: {  	v3 =	vld [tilespmem:$0x90];
	_ =	sdelay $0x4  }
0x7a: {  	v4 =	vshll.u32 v3, $0x1  }
0x7b: {  	v3 =	vand.u32 $0x7, v3;
	v4 =	vand.u32 $0xFFFFFFF0, v4  }
0x7c: {  	v3 =	vor.u32 v3, v4  }
0x7d: {  	v4 =	vperm.xlane v3, v0;
	_ =	sdelay $0x1  }
0x7e: {  	v3 =	vperm.xlane v3, v2;
	v4 =	vadd.s32 v1, v4;
	_ =	sdelay $0x1  }
0x7f: {  	v3 =	vadd.s32 v1, v3;
	_ =	sdelay $0x2  }
0x80: {  	[tilespmem:s26], [sflag:$0x3] =	stream.indirect_vreg.gather [hbm4b:s2+s3], $0x80, v4, vm0, $0xb8;
	[tilespmem:$0x10300] =	vst v63  }
0x81: {  	_ = 	snop  }
0x82: {  	[tilespmem:s28], [sflag:$0x3] =	stream.indirect_vreg.gather [hbm4b:s2+s3], $0x80, v3, vm0, $0xb8;
	[tilespmem:$0x10300] =	vst v63  }
0x83: {  	v3 =	vld [tilespmem:$0xA0];
	_ =	sdelay $0x4  }
0x84: {  	v4 =	vshll.u32 v3, $0x1  }
0x85: {  	v3 =	vand.u32 $0x7, v3;
	v4 =	vand.u32 $0xFFFFFFF0, v4  }
0x86: {  	v3 =	vor.u32 v3, v4  }
0x87: {  	v4 =	vperm.xlane v3, v0;
	_ =	sdelay $0x1  }
0x88: {  	v3 =	vperm.xlane v3, v2;
	v4 =	vadd.s32 v1, v4;
	_ =	sdelay $0x1  }
0x89: {  	v3 =	vadd.s32 v1, v3;
	_ =	sdelay $0x2  }
0x8a: {  	[tilespmem:s29], [sflag:$0x3] =	stream.indirect_vreg.gather [hbm4b:s2+s3], $0x80, v4, vm0, $0xb8;
	[tilespmem:$0x10300] =	vst v63  }
0x8b: {  	_ = 	snop  }
0x8c: {  	[tilespmem:s30], [sflag:$0x3] =	stream.indirect_vreg.gather [hbm4b:s2+s3], $0x80, v3, vm0, $0xb8;
	[tilespmem:$0x10300] =	vst v63  }
0x8d: {  	v3 =	vld [tilespmem:$0xB0];
	_ =	sdelay $0x4  }
0x8e: {  	v4 =	vshll.u32 v3, $0x1  }
0x8f: {  	v3 =	vand.u32 $0x7, v3;
	v4 =	vand.u32 $0xFFFFFFF0, v4  }
0x90: {  	v3 =	vor.u32 v3, v4  }
0x91: {  	v4 =	vperm.xlane v3, v0;
	_ =	sdelay $0x1  }
0x92: {  	v3 =	vperm.xlane v3, v2;
	v4 =	vadd.s32 v1, v4;
	_ =	sdelay $0x1  }
0x93: {  	v3 =	vadd.s32 v1, v3;
	_ =	sdelay $0x2  }
0x94: {  	[tilespmem:s31], [sflag:$0x3] =	stream.indirect_vreg.gather [hbm4b:s2+s3], $0x80, v4, vm0, $0xb8;
	[tilespmem:$0x10300] =	vst v63  }
0x95: {  	_ = 	snop  }
0x96: {  	[tilespmem:s0], [sflag:$0x3] =	stream.indirect_vreg.gather [hbm4b:s2+s3], $0x80, v3, vm0, $0xb8;
	[tilespmem:$0x10300] =	vst v63  }
0x97: {  	v3 =	vld [tilespmem:$0xC0];
	_ =	sdelay $0x4  }
0x98: {  	v4 =	vshll.u32 v3, $0x1  }
0x99: {  	v3 =	vand.u32 $0x7, v3;
	v4 =	vand.u32 $0xFFFFFFF0, v4  }
0x9a: {  	v3 =	vor.u32 v3, v4  }
0x9b: {  	v4 =	vperm.xlane v3, v0;
	_ =	sdelay $0x1  }
0x9c: {  	v3 =	vperm.xlane v3, v2;
	v4 =	vadd.s32 v1, v4;
	_ =	sdelay $0x1  }
0x9d: {  	v3 =	vadd.s32 v1, v3;
	_ =	sdelay $0x2  }
0x9e: {  	[tilespmem:s1], [sflag:$0x4] =	stream.indirect_vreg.gather [hbm4b:s2+s3], $0x80, v4, vm0, $0xb8;
	[tilespmem:$0x10300] =	vst v63  }
0x9f: {  	_ = 	snop  }
0xa0: {  	[tilespmem:s8], [sflag:$0x4] =	stream.indirect_vreg.gather [hbm4b:s2+s3], $0x80, v3, vm0, $0xb8;
	[tilespmem:$0x10300] =	vst v63  }
0xa1: {  	v3 =	vld [tilespmem:$0xD0];
	_ =	sdelay $0x4  }
0xa2: {  	v4 =	vshll.u32 v3, $0x1  }
0xa3: {  	v3 =	vand.u32 $0x7, v3;
	v4 =	vand.u32 $0xFFFFFFF0, v4  }
0xa4: {  	v3 =	vor.u32 v3, v4  }
0xa5: {  	v4 =	vperm.xlane v3, v0;
	_ =	sdelay $0x1  }
0xa6: {  	v3 =	vperm.xlane v3, v2;
	v4 =	vadd.s32 v1, v4;
	_ =	sdelay $0x1  }
0xa7: {  	v3 =	vadd.s32 v1, v3;
	_ =	sdelay $0x2  }
0xa8: {  	[tilespmem:s9], [sflag:$0x4] =	stream.indirect_vreg.gather [hbm4b:s2+s3], $0x80, v4, vm0, $0xb8;
	[tilespmem:$0x10300] =	vst v63  }
0xa9: {  	_ = 	snop  }
0xaa: {  	[tilespmem:s10], [sflag:$0x4] =	stream.indirect_vreg.gather [hbm4b:s2+s3], $0x80, v3, vm0, $0xb8;
	[tilespmem:$0x10300] =	vst v63  }
0xab: {  	v3 =	vld [tilespmem:$0xE0];
	_ =	sdelay $0x4  }
0xac: {  	v4 =	vshll.u32 v3, $0x1  }
0xad: {  	v3 =	vand.u32 $0x7, v3;
	v4 =	vand.u32 $0xFFFFFFF0, v4  }
0xae: {  	v3 =	vor.u32 v3, v4  }
0xaf: {  	v4 =	vperm.xlane v3, v0;
	_ =	sdelay $0x1  }
0xb0: {  	v3 =	vperm.xlane v3, v2;
	v4 =	vadd.s32 v1, v4;
	_ =	sdelay $0x1  }
0xb1: {  	v3 =	vadd.s32 v1, v3;
	_ =	sdelay $0x2  }
0xb2: {  	[tilespmem:s11], [sflag:$0x4] =	stream.indirect_vreg.gather [hbm4b:s2+s3], $0x80, v4, vm0, $0xb8;
	[tilespmem:$0x10300] =	vst v63  }
0xb3: {  	_ = 	snop  }
0xb4: {  	[tilespmem:s12], [sflag:$0x4] =	stream.indirect_vreg.gather [hbm4b:s2+s3], $0x80, v3, vm0, $0xb8;
	[tilespmem:$0x10300] =	vst v63  }
0xb5: {  	v3 =	vld [tilespmem:$0xF0];
	_ =	sdelay $0x4  }
0xb6: {  	v4 =	vshll.u32 v3, $0x1  }
0xb7: {  	v3 =	vand.u32 $0x7, v3;
	v4 =	vand.u32 $0xFFFFFFF0, v4  }
0xb8: {  	v3 =	vor.u32 v3, v4  }
0xb9: {  	v4 =	vperm.xlane v3, v0;
	_ =	sdelay $0x1  }
0xba: {  	v3 =	vperm.xlane v3, v2;
	v4 =	vadd.s32 v1, v4;
	_ =	sdelay $0x1  }
0xbb: {  	v3 =	vadd.s32 v1, v3;
	_ =	sdelay $0x2  }
0xbc: {  	[tilespmem:s13], [sflag:$0x4] =	stream.indirect_vreg.gather [hbm4b:s2+s3], $0x80, v4, vm0, $0xb8;
	[tilespmem:$0x10300] =	vst v63  }
0xbd: {  	_ = 	snop  }
0xbe: {  	[tilespmem:s14], [sflag:$0x4] =	stream.indirect_vreg.gather [hbm4b:s2+s3], $0x80, v3, vm0, $0xb8;
	[tilespmem:$0x10300] =	vst v63  }
0xbf: {  	_ =	swait.ge [sflag:s15], $0x4000  }
0xc0: {  	s24 =	sand.u32 $0x3800, s3;
	s21 =	sand.u32 $0x380, s3;
	[sflag:s15] =	ssyncset.done $0x0  }
0xc1: {  	s20 =	sor.u32 s21, s24;
	[sflag:s15] =	ssyncadd.s32 $0xFFFFC000  }
0xc2: {  	v3 =	vld [tilespmem:s20+$0x670]  }
0xc3: {  	v4 =	vld [tilespmem:s20+$0x200]  }
0xc4: {  	v6 =	vld [tilespmem:s20+$0x210]  }
0xc5: {  	v7 =	vld [tilespmem:s20+$0x220]  }
0xc6: {  	v8 =	vld [tilespmem:s20+$0x230]  }
0xc7: {  	v9 =	vld [tilespmem:s20+$0x240]  }
0xc8: {  	v10 =	vld [tilespmem:s20+$0x250]  }
0xc9: {  	v12 =	vld [tilespmem:s20+$0x260]  }
0xca: {  	v13 =	vimm.f32 $0.0e+00;
	v14 =	vld [tilespmem:s20+$0x270]  }
0xcb: {  	v15 =	vld [tilespmem:s20+$0x600];
	v5 =	vadd.f32 v3, v13  }
0xcc: {  	v20 =	vld [tilespmem:s20+$0x610];
	v11 =	vadd.f32 v4, v13;
	v6 =	vadd.f32 v6, v13  }
0xcd: {  	v18 =	vimm.f32 $0.0e+00;
	v21 =	vld [tilespmem:s20+$0x620];
	v7 =	vadd.f32 v7, v13;
	v3 =	vadd.f32 v8, v13  }
0xce: {  	v16 =	vimm.f32 $0.0e+00;
	v19 =	vld [tilespmem:s20+$0x630];
	v8 =	vadd.f32 v9, v13;
	v4 =	vadd.f32 v10, v13  }
0xcf: {  	v17 =	vimm.f32 $0.0e+00;
	s21 =	simm.s32 $0x80;
	s22 =	simm.s32 $0x100;
	v22 =	vld [tilespmem:s20+$0x640];
	v9 =	vadd.f32 v12, v13;
	v10 =	vadd.f32 v14, v13  }
0xd0: {  	s24 =	sand.u32 $0x380, s21;
	s23 =	sand.u32 $0x3800, s22;
	s22 =	simm.s32 $0x200;
	v23 =	vld [tilespmem:s20+$0x650];
	v12 =	vadd.f32 v15, v13;
	v15 =	vimm.f32 $0.0e+00;
	v14 =	vimm.f32 $0.0e+00  }
.LBB2_2:
0xd1: {  	p0 =	sne.s32 s22, $0x3F00;
	v13 =	vadd.f32 v20, v13;
	v20 =	vld [tilespmem:s20+$0x660];
	s20 =	sor.u32 s24, s23  }
0xd2: {  	v24 =	vld [tilespmem:s20+$0x670];
	v15 =	vadd.f32 v21, v15  }
0xd3: {  	v21 =	vld [tilespmem:s20+$0x200];
	v14 =	vadd.f32 v19, v14  }
0xd4: {  	v19 =	vld [tilespmem:s20+$0x210];
	v18 =	vadd.f32 v22, v18  }
0xd5: {  	v22 =	vld [tilespmem:s20+$0x220];
	v16 =	vadd.f32 v23, v16  }
0xd6: {  	v23 =	vld [tilespmem:s20+$0x230];
	v17 =	vadd.f32 v20, v17  }
0xd7: {  	v20 =	vld [tilespmem:s20+$0x240];
	v5 =	vadd.f32 v24, v5  }
0xd8: {  	v11 =	vadd.f32 v21, v11;
	v21 =	vld [tilespmem:s20+$0x250]  }
0xd9: {  	v6 =	vadd.f32 v19, v6;
	v19 =	vld [tilespmem:s20+$0x260]  }
0xda: {  	v7 =	vadd.f32 v22, v7;
	v22 =	vld [tilespmem:s20+$0x270]  }
0xdb: {  	v3 =	vadd.f32 v23, v3;
	v23 =	vld [tilespmem:s20+$0x600]  }
.Ltmp0:
0xdc: {  	v8 =	vadd.f32 v20, v8;
	v20 =	vld [tilespmem:s20+$0x610];
	(pc) =	sbr.rel @p0 .LBB2_2-.Ltmp0, $4  }
0xdd: {  	v4 =	vadd.f32 v21, v4;
	v21 =	vld [tilespmem:s20+$0x620]  }
0xde: {  	v9 =	vadd.f32 v19, v9;
	v19 =	vld [tilespmem:s20+$0x630]  }
0xdf: {  	s21 =	sadd.s32 $0x80, s21;
	v10 =	vadd.f32 v22, v10;
	v22 =	vld [tilespmem:s20+$0x640]  }
0xe0: {  	s23 =	sand.u32 $0x3800, s22;
	s22 =	sadd.s32 $0x100, s22;
	s24 =	sand.u32 $0x380, s21;
	v12 =	vadd.f32 v23, v12;
	v23 =	vld [tilespmem:s20+$0x650]  }
0xe1: {  	v24 =	vld [tilespmem:s20+$0x660]  }
0xe2: {  	s21 =	sor.u32 s24, s23;
	v27 =	vld [tilespmem:$0x100]  }
0xe3: {  	v25 =	vld [tilespmem:s21+$0x670]  }
0xe4: {  	v26 =	vld [tilespmem:s21+$0x200]  }
0xe5: {  	v28 =	vld [tilespmem:s21+$0x210]  }
0xe6: {  	v29 =	vld [tilespmem:s21+$0x220]  }
0xe7: {  	v30 =	vld [tilespmem:s21+$0x230]  }
0xe8: {  	v31 =	vld [tilespmem:s21+$0x240];
	v33 =	vshll.u32 v27, $0x1  }
0xe9: {  	v32 =	vld [tilespmem:s21+$0x250];
	v27 =	vand.u32 $0x7, v27;
	v33 =	vand.u32 $0xFFFFFFF0, v33  }
0xea: {  	v34 =	vld [tilespmem:s21+$0x260];
	v27 =	vor.u32 v27, v33  }
0xeb: {  	v35 =	vld [tilespmem:s21+$0x270];
	v36 =	vperm.xlane v27, v0  }
0xec: {  	v47 =	vld [tilespmem:s21+$0x600]  }
0xed: {  	v37 =	vld [tilespmem:s21+$0x610];
	v27 =	vperm.xlane v27, v2;
	v36 =	vadd.s32 v1, v36  }
0xee: {  	v38 =	vld [tilespmem:s21+$0x620]  }
0xef: {  	v39 =	vld [tilespmem:s21+$0x630];
	v27 =	vadd.s32 v1, v27  }
0xf0: {  	v40 =	vld [tilespmem:s21+$0x640]  }
0xf1: {  	s20 =	simm.s32 $0x0;
	s22 =	simm.s32 $0x200;
	v41 =	vld [tilespmem:s21+$0x650]  }
0xf2: {  	v42 =	vld [tilespmem:s21+$0x660];
	[tilespmem:s22], [sflag:$0x1] =	stream.indirect_vreg.gather [hbm4b:s2+s20], $0x80, v36, vm0, $0xb8  }
0xf3: {  	s23 =	simm.s32 $0xA00  }
0xf4: {  	[tilespmem:s23], [sflag:$0x1] =	stream.indirect_vreg.gather [hbm4b:s2+s20], $0x80, v27, vm0, $0xb8;
	[tilespmem:$0x10300] =	vst v63  }
0xf5: {  	v27 =	vld [tilespmem:$0x110];
	_ =	sdelay $0x4  }
0xf6: {  	v48 =	vshll.u32 v27, $0x1  }
0xf7: {  	v27 =	vand.u32 $0x7, v27;
	v36 =	vand.u32 $0xFFFFFFF0, v48  }
0xf8: {  	v27 =	vor.u32 v27, v36  }
0xf9: {  	v36 =	vperm.xlane v27, v0;
	_ =	sdelay $0x1  }
0xfa: {  	v27 =	vperm.xlane v27, v2;
	v36 =	vadd.s32 v1, v36;
	_ =	sdelay $0x1  }
0xfb: {  	v27 =	vadd.s32 v1, v27;
	_ =	sdelay $0x1  }
0xfc: {  	s24 =	simm.s32 $0x1200  }
0xfd: {  	[tilespmem:s24], [sflag:$0x1] =	stream.indirect_vreg.gather [hbm4b:s2+s20], $0x80, v36, vm0, $0xb8;
	[tilespmem:$0x10300] =	vst v63  }
0xfe: {  	s22 =	simm.s32 $0x1A00  }
0xff: {  	[tilespmem:s22], [sflag:$0x1] =	stream.indirect_vreg.gather [hbm4b:s2+s20], $0x80, v27, vm0, $0xb8;
	[tilespmem:$0x10300] =	vst v63  }
0x100: {  	v27 =	vld [tilespmem:$0x120];
	_ =	sdelay $0x4  }
0x101: {  	v49 =	vshll.u32 v27, $0x1  }
0x102: {  	v27 =	vand.u32 $0x7, v27;
	v36 =	vand.u32 $0xFFFFFFF0, v49  }
0x103: {  	v27 =	vor.u32 v27, v36  }
0x104: {  	v36 =	vperm.xlane v27, v0;
	_ =	sdelay $0x1  }
0x105: {  	v27 =	vperm.xlane v27, v2;
	v36 =	vadd.s32 v1, v36;
	_ =	sdelay $0x1  }
0x106: {  	v27 =	vadd.s32 v1, v27;
	_ =	sdelay $0x1  }
0x107: {  	s23 =	simm.s32 $0x2200  }
0x108: {  	[tilespmem:s23], [sflag:$0x1] =	stream.indirect_vreg.gather [hbm4b:s2+s20], $0x80, v36, vm0, $0xb8;
	[tilespmem:$0x10300] =	vst v63  }
0x109: {  	s24 =	simm.s32 $0x2A00  }
0x10a: {  	[tilespmem:s24], [sflag:$0x1] =	stream.indirect_vreg.gather [hbm4b:s2+s20], $0x80, v27, vm0, $0xb8;
	[tilespmem:$0x10300] =	vst v63  }
0x10b: {  	v27 =	vld [tilespmem:$0x130];
	_ =	sdelay $0x4  }
0x10c: {  	v50 =	vshll.u32 v27, $0x1  }
0x10d: {  	v27 =	vand.u32 $0x7, v27;
	v36 =	vand.u32 $0xFFFFFFF0, v50  }
0x10e: {  	v27 =	vor.u32 v27, v36  }
0x10f: {  	v36 =	vperm.xlane v27, v0;
	_ =	sdelay $0x1  }
0x110: {  	v27 =	vperm.xlane v27, v2;
	v36 =	vadd.s32 v1, v36;
	_ =	sdelay $0x1  }
0x111: {  	v27 =	vadd.s32 v1, v27;
	_ =	sdelay $0x1  }
0x112: {  	s22 =	simm.s32 $0x3200  }
0x113: {  	[tilespmem:s22], [sflag:$0x1] =	stream.indirect_vreg.gather [hbm4b:s2+s20], $0x80, v36, vm0, $0xb8;
	[tilespmem:$0x10300] =	vst v63  }
0x114: {  	s23 =	simm.s32 $0x3A00  }
0x115: {  	[tilespmem:s23], [sflag:$0x1] =	stream.indirect_vreg.gather [hbm4b:s2+s20], $0x80, v27, vm0, $0xb8;
	[tilespmem:$0x10300] =	vst v63  }
0x116: {  	_ =	swait.ge [sflag:s16], $0x4000  }
0x117: {  	s24 =	sand.u32 $0x3800, s20;
	s20 =	sand.u32 $0x380, s20;
	[sflag:s16] =	ssyncset.done $0x0  }
0x118: {  	v13 =	vadd.f32 v20, v13;
	v15 =	vadd.f32 v21, v15;
	s20 =	sor.u32 s20, s24;
	[sflag:s16] =	ssyncadd.s32 $0xFFFFC000  }
0x119: {  	v19 =	vadd.f32 v19, v14;
	v18 =	vadd.f32 v22, v18;
	v20 =	vld [tilespmem:s20+$0x4670]  }
0x11a: {  	v16 =	vadd.f32 v23, v16;
	v17 =	vadd.f32 v24, v17;
	v21 =	vld [tilespmem:s20+$0x4200]  }
0x11b: {  	v22 =	vadd.f32 v25, v5;
	v11 =	vadd.f32 v26, v11;
	v23 =	vld [tilespmem:s20+$0x4210]  }
0x11c: {  	v51 =	vadd.f32 v28, v6;
	v52 =	vadd.f32 v29, v7;
	v53 =	vld [tilespmem:s20+$0x4220]  }
0x11d: {  	v54 =	vadd.f32 v30, v3;
	v55 =	vadd.f32 v31, v8;
	v56 =	vld [tilespmem:s20+$0x4230]  }
0x11e: {  	v57 =	vadd.f32 v32, v4;
	v58 =	vadd.f32 v34, v9;
	v59 =	vld [tilespmem:s20+$0x4240]  }
0x11f: {  	v60 =	vadd.f32 v35, v10;
	v14 =	vadd.f32 v37, v13;
	v61 =	vld [tilespmem:s20+$0x4250]  }
0x120: {  	v15 =	vadd.f32 v38, v15;
	v3 =	vadd.f32 v39, v19;
	v62 =	vld [tilespmem:s20+$0x4260]  }
0x121: {  	v4 =	vadd.f32 v40, v18;
	v5 =	vadd.f32 v41, v16;
	v18 =	vld [tilespmem:s20+$0x4270]  }
0x122: {  	v33 =	vadd.f32 v47, v12;
	v6 =	vadd.f32 v42, v17;
	v63 =	vld [tilespmem:s20+$0x4600]  }
0x123: {  	v19 =	vld [tilespmem:s20+$0x4610];
	v7 =	vadd.f32 v20, v22;
	v8 =	vadd.f32 v21, v11  }
0x124: {  	v9 =	vadd.f32 v23, v51;
	v10 =	vadd.f32 v53, v52;
	v20 =	vld [tilespmem:s20+$0x4620]  }
0x125: {  	v11 =	vadd.f32 v56, v54;
	v12 =	vadd.f32 v59, v55;
	v21 =	vld [tilespmem:s20+$0x4630]  }
0x126: {  	s21 =	simm.s32 $0x80;
	s22 =	simm.s32 $0x100;
	v13 =	vadd.f32 v61, v57;
	v16 =	vadd.f32 v62, v58;
	v22 =	vld [tilespmem:s20+$0x4640]  }
0x127: {  	s23 =	sand.u32 $0x3800, s22;
	s22 =	simm.s32 $0x200;
	s24 =	sand.u32 $0x380, s21;
	v17 =	vadd.f32 v18, v60;
	v18 =	vadd.f32 v63, v33;
	v23 =	vld [tilespmem:s20+$0x4650]  }
.LBB2_4:
0x128: {  	p0 =	sne.s32 s22, $0x3F00;
	v14 =	vadd.f32 v19, v14;
	v19 =	vld [tilespmem:s20+$0x4660];
	s20 =	sor.u32 s24, s23  }
0x129: {  	v24 =	vld [tilespmem:s20+$0x4670];
	v15 =	vadd.f32 v20, v15  }
0x12a: {  	v20 =	vld [tilespmem:s20+$0x4200];
	v3 =	vadd.f32 v21, v3  }
0x12b: {  	v21 =	vld [tilespmem:s20+$0x4210];
	v4 =	vadd.f32 v22, v4  }
0x12c: {  	v22 =	vld [tilespmem:s20+$0x4220];
	v5 =	vadd.f32 v23, v5  }
0x12d: {  	v23 =	vld [tilespmem:s20+$0x4230];
	v6 =	vadd.f32 v19, v6  }
0x12e: {  	v19 =	vld [tilespmem:s20+$0x4240];
	v7 =	vadd.f32 v24, v7  }
0x12f: {  	v8 =	vadd.f32 v20, v8;
	v20 =	vld [tilespmem:s20+$0x4250]  }
0x130: {  	v9 =	vadd.f32 v21, v9;
	v21 =	vld [tilespmem:s20+$0x4260]  }
0x131: {  	v10 =	vadd.f32 v22, v10;
	v22 =	vld [tilespmem:s20+$0x4270]  }
0x132: {  	v11 =	vadd.f32 v23, v11;
	v23 =	vld [tilespmem:s20+$0x4600]  }
.Ltmp1:
0x133: {  	v12 =	vadd.f32 v19, v12;
	v19 =	vld [tilespmem:s20+$0x4610];
	(pc) =	sbr.rel @p0 .LBB2_4-.Ltmp1, $4  }
0x134: {  	v13 =	vadd.f32 v20, v13;
	v20 =	vld [tilespmem:s20+$0x4620]  }
0x135: {  	v16 =	vadd.f32 v21, v16;
	v21 =	vld [tilespmem:s20+$0x4630]  }
0x136: {  	s21 =	sadd.s32 $0x80, s21;
	v17 =	vadd.f32 v22, v17;
	v22 =	vld [tilespmem:s20+$0x4640]  }
0x137: {  	s23 =	sand.u32 $0x3800, s22;
	s22 =	sadd.s32 $0x100, s22;
	s24 =	sand.u32 $0x380, s21;
	v18 =	vadd.f32 v23, v18;
	v23 =	vld [tilespmem:s20+$0x4650]  }
0x138: {  	v24 =	vld [tilespmem:s20+$0x4660]  }
0x139: {  	s21 =	sor.u32 s24, s23;
	v27 =	vld [tilespmem:$0x140]  }
0x13a: {  	v25 =	vld [tilespmem:s21+$0x4670]  }
0x13b: {  	v26 =	vld [tilespmem:s21+$0x4200]  }
0x13c: {  	v28 =	vld [tilespmem:s21+$0x4210]  }
0x13d: {  	v29 =	vld [tilespmem:s21+$0x4220]  }
0x13e: {  	v30 =	vld [tilespmem:s21+$0x4230]  }
0x13f: {  	v31 =	vld [tilespmem:s21+$0x4240];
	v33 =	vshll.u32 v27, $0x1  }
0x140: {  	v32 =	vld [tilespmem:s21+$0x4250];
	v27 =	vand.u32 $0x7, v27;
	v33 =	vand.u32 $0xFFFFFFF0, v33  }
0x141: {  	v34 =	vld [tilespmem:s21+$0x4260];
	v27 =	vor.u32 v27, v33  }
0x142: {  	v35 =	vld [tilespmem:s21+$0x4270];
	v36 =	vperm.xlane v27, v0  }
0x143: {  	v55 =	vld [tilespmem:s21+$0x4600]  }
0x144: {  	v37 =	vld [tilespmem:s21+$0x4610];
	v27 =	vperm.xlane v27, v2;
	v36 =	vadd.s32 v1, v36  }
0x145: {  	v38 =	vld [tilespmem:s21+$0x4620]  }
0x146: {  	v39 =	vld [tilespmem:s21+$0x4630];
	v27 =	vadd.s32 v1, v27  }
0x147: {  	v40 =	vld [tilespmem:s21+$0x4640]  }
0x148: {  	s20 =	simm.s32 $0x0;
	s22 =	simm.s32 $0x4200;
	v41 =	vld [tilespmem:s21+$0x4650]  }
0x149: {  	v42 =	vld [tilespmem:s21+$0x4660];
	[tilespmem:s22], [sflag:$0x2] =	stream.indirect_vreg.gather [hbm4b:s2+s20], $0x80, v36, vm0, $0xb8  }
0x14a: {  	s23 =	simm.s32 $0x4A00  }
0x14b: {  	[tilespmem:s23], [sflag:$0x2] =	stream.indirect_vreg.gather [hbm4b:s2+s20], $0x80, v27, vm0, $0xb8;
	[tilespmem:$0x10300] =	vst v63  }
0x14c: {  	v27 =	vld [tilespmem:$0x150];
	_ =	sdelay $0x4  }
0x14d: {  	v56 =	vshll.u32 v27, $0x1  }
0x14e: {  	v27 =	vand.u32 $0x7, v27;
	v36 =	vand.u32 $0xFFFFFFF0, v56  }
0x14f: {  	v27 =	vor.u32 v27, v36  }
0x150: {  	v36 =	vperm.xlane v27, v0;
	_ =	sdelay $0x1  }
0x151: {  	v27 =	vperm.xlane v27, v2;
	v36 =	vadd.s32 v1, v36;
	_ =	sdelay $0x1  }
0x152: {  	v27 =	vadd.s32 v1, v27;
	_ =	sdelay $0x1  }
0x153: {  	s24 =	simm.s32 $0x5200  }
0x154: {  	[tilespmem:s24], [sflag:$0x2] =	stream.indirect_vreg.gather [hbm4b:s2+s20], $0x80, v36, vm0, $0xb8;
	[tilespmem:$0x10300] =	vst v63  }
0x155: {  	s22 =	simm.s32 $0x5A00  }
0x156: {  	[tilespmem:s22], [sflag:$0x2] =	stream.indirect_vreg.gather [hbm4b:s2+s20], $0x80, v27, vm0, $0xb8;
	[tilespmem:$0x10300] =	vst v63  }
0x157: {  	v27 =	vld [tilespmem:$0x160];
	_ =	sdelay $0x4  }
0x158: {  	v57 =	vshll.u32 v27, $0x1  }
0x159: {  	v27 =	vand.u32 $0x7, v27;
	v36 =	vand.u32 $0xFFFFFFF0, v57  }
0x15a: {  	v27 =	vor.u32 v27, v36  }
0x15b: {  	v36 =	vperm.xlane v27, v0;
	_ =	sdelay $0x1  }
0x15c: {  	v27 =	vperm.xlane v27, v2;
	v36 =	vadd.s32 v1, v36;
	_ =	sdelay $0x1  }
0x15d: {  	v27 =	vadd.s32 v1, v27;
	_ =	sdelay $0x1  }
0x15e: {  	s23 =	simm.s32 $0x6200  }
0x15f: {  	[tilespmem:s23], [sflag:$0x2] =	stream.indirect_vreg.gather [hbm4b:s2+s20], $0x80, v36, vm0, $0xb8;
	[tilespmem:$0x10300] =	vst v63  }
0x160: {  	s24 =	simm.s32 $0x6A00  }
0x161: {  	[tilespmem:s24], [sflag:$0x2] =	stream.indirect_vreg.gather [hbm4b:s2+s20], $0x80, v27, vm0, $0xb8;
	[tilespmem:$0x10300] =	vst v63  }
0x162: {  	v27 =	vld [tilespmem:$0x170];
	_ =	sdelay $0x4  }
0x163: {  	v58 =	vshll.u32 v27, $0x1  }
0x164: {  	v27 =	vand.u32 $0x7, v27;
	v36 =	vand.u32 $0xFFFFFFF0, v58  }
0x165: {  	v27 =	vor.u32 v27, v36  }
0x166: {  	v36 =	vperm.xlane v27, v0;
	_ =	sdelay $0x1  }
0x167: {  	v27 =	vperm.xlane v27, v2;
	v36 =	vadd.s32 v1, v36;
	_ =	sdelay $0x1  }
0x168: {  	v27 =	vadd.s32 v1, v27;
	_ =	sdelay $0x1  }
0x169: {  	s22 =	simm.s32 $0x7200  }
0x16a: {  	[tilespmem:s22], [sflag:$0x2] =	stream.indirect_vreg.gather [hbm4b:s2+s20], $0x80, v36, vm0, $0xb8;
	[tilespmem:$0x10300] =	vst v63  }
0x16b: {  	s23 =	simm.s32 $0x7A00  }
0x16c: {  	[tilespmem:s23], [sflag:$0x2] =	stream.indirect_vreg.gather [hbm4b:s2+s20], $0x80, v27, vm0, $0xb8;
	[tilespmem:$0x10300] =	vst v63  }
0x16d: {  	_ =	swait.ge [sflag:s17], $0x4000  }
0x16e: {  	s24 =	sand.u32 $0x3800, s20;
	s20 =	sand.u32 $0x380, s20;
	[sflag:s17] =	ssyncset.done $0x0  }
0x16f: {  	v14 =	vadd.f32 v19, v14;
	v15 =	vadd.f32 v20, v15;
	s20 =	sor.u32 s20, s24;
	[sflag:s17] =	ssyncadd.s32 $0xFFFFC000  }
0x170: {  	v3 =	vadd.f32 v21, v3;
	v4 =	vadd.f32 v22, v4;
	v19 =	vld [tilespmem:s20+$0x8670]  }
0x171: {  	v5 =	vadd.f32 v23, v5;
	v6 =	vadd.f32 v24, v6;
	v20 =	vld [tilespmem:s20+$0x8200]  }
0x172: {  	v7 =	vadd.f32 v25, v7;
	v8 =	vadd.f32 v26, v8;
	v21 =	vld [tilespmem:s20+$0x8210]  }
0x173: {  	v9 =	vadd.f32 v28, v9;
	v10 =	vadd.f32 v29, v10;
	v22 =	vld [tilespmem:s20+$0x8220]  }
0x174: {  	v11 =	vadd.f32 v30, v11;
	v12 =	vadd.f32 v31, v12;
	v23 =	vld [tilespmem:s20+$0x8230]  }
0x175: {  	v13 =	vadd.f32 v32, v13;
	v16 =	vadd.f32 v34, v16;
	v59 =	vld [tilespmem:s20+$0x8240]  }
0x176: {  	v17 =	vadd.f32 v35, v17;
	v18 =	vadd.f32 v55, v18;
	v60 =	vld [tilespmem:s20+$0x8250]  }
0x177: {  	v14 =	vadd.f32 v37, v14;
	v15 =	vadd.f32 v38, v15;
	v61 =	vld [tilespmem:s20+$0x8260]  }
0x178: {  	v3 =	vadd.f32 v39, v3;
	v4 =	vadd.f32 v40, v4;
	v62 =	vld [tilespmem:s20+$0x8270]  }
0x179: {  	v5 =	vadd.f32 v41, v5;
	v6 =	vadd.f32 v42, v6;
	v63 =	vld [tilespmem:s20+$0x8600]  }
0x17a: {  	v7 =	vadd.f32 v19, v7;
	v8 =	vadd.f32 v20, v8;
	v19 =	vld [tilespmem:s20+$0x8610]  }
0x17b: {  	v9 =	vadd.f32 v21, v9;
	v10 =	vadd.f32 v22, v10;
	v20 =	vld [tilespmem:s20+$0x8620]  }
0x17c: {  	v11 =	vadd.f32 v23, v11;
	v12 =	vadd.f32 v59, v12;
	v21 =	vld [tilespmem:s20+$0x8630]  }
0x17d: {  	s21 =	simm.s32 $0x80;
	s22 =	simm.s32 $0x100;
	v13 =	vadd.f32 v60, v13;
	v16 =	vadd.f32 v61, v16;
	v22 =	vld [tilespmem:s20+$0x8640]  }
0x17e: {  	s23 =	sand.u32 $0x3800, s22;
	s22 =	simm.s32 $0x200;
	s24 =	sand.u32 $0x380, s21;
	v17 =	vadd.f32 v62, v17;
	v18 =	vadd.f32 v63, v18;
	v23 =	vld [tilespmem:s20+$0x8650]  }
.LBB2_6:
0x17f: {  	p0 =	sne.s32 s22, $0x3F00;
	v14 =	vadd.f32 v19, v14;
	v19 =	vld [tilespmem:s20+$0x8660];
	s20 =	sor.u32 s24, s23  }
0x180: {  	v24 =	vld [tilespmem:s20+$0x8670];
	v15 =	vadd.f32 v20, v15  }
0x181: {  	v20 =	vld [tilespmem:s20+$0x8200];
	v3 =	vadd.f32 v21, v3  }
0x182: {  	v21 =	vld [tilespmem:s20+$0x8210];
	v4 =	vadd.f32 v22, v4  }
0x183: {  	v22 =	vld [tilespmem:s20+$0x8220];
	v5 =	vadd.f32 v23, v5  }
0x184: {  	v23 =	vld [tilespmem:s20+$0x8230];
	v6 =	vadd.f32 v19, v6  }
0x185: {  	v19 =	vld [tilespmem:s20+$0x8240];
	v7 =	vadd.f32 v24, v7  }
0x186: {  	v8 =	vadd.f32 v20, v8;
	v20 =	vld [tilespmem:s20+$0x8250]  }
0x187: {  	v9 =	vadd.f32 v21, v9;
	v21 =	vld [tilespmem:s20+$0x8260]  }
0x188: {  	v10 =	vadd.f32 v22, v10;
	v22 =	vld [tilespmem:s20+$0x8270]  }
0x189: {  	v11 =	vadd.f32 v23, v11;
	v23 =	vld [tilespmem:s20+$0x8600]  }
.Ltmp2:
0x18a: {  	v12 =	vadd.f32 v19, v12;
	v19 =	vld [tilespmem:s20+$0x8610];
	(pc) =	sbr.rel @p0 .LBB2_6-.Ltmp2, $4  }
0x18b: {  	v13 =	vadd.f32 v20, v13;
	v20 =	vld [tilespmem:s20+$0x8620]  }
0x18c: {  	v16 =	vadd.f32 v21, v16;
	v21 =	vld [tilespmem:s20+$0x8630]  }
0x18d: {  	s21 =	sadd.s32 $0x80, s21;
	v17 =	vadd.f32 v22, v17;
	v22 =	vld [tilespmem:s20+$0x8640]  }
0x18e: {  	s23 =	sand.u32 $0x3800, s22;
	s22 =	sadd.s32 $0x100, s22;
	s24 =	sand.u32 $0x380, s21;
	v18 =	vadd.f32 v23, v18;
	v23 =	vld [tilespmem:s20+$0x8650]  }
0x18f: {  	v24 =	vld [tilespmem:s20+$0x8660]  }
0x190: {  	s21 =	sor.u32 s24, s23;
	v27 =	vld [tilespmem:$0x180]  }
0x191: {  	v25 =	vld [tilespmem:s21+$0x8670]  }
0x192: {  	v26 =	vld [tilespmem:s21+$0x8200]  }
0x193: {  	v28 =	vld [tilespmem:s21+$0x8210]  }
0x194: {  	v29 =	vld [tilespmem:s21+$0x8220]  }
0x195: {  	v30 =	vld [tilespmem:s21+$0x8230]  }
0x196: {  	v31 =	vld [tilespmem:s21+$0x8240];
	v33 =	vshll.u32 v27, $0x1  }
0x197: {  	v32 =	vld [tilespmem:s21+$0x8250];
	v27 =	vand.u32 $0x7, v27;
	v33 =	vand.u32 $0xFFFFFFF0, v33  }
0x198: {  	v34 =	vld [tilespmem:s21+$0x8260];
	v27 =	vor.u32 v27, v33  }
0x199: {  	v35 =	vld [tilespmem:s21+$0x8270];
	v36 =	vperm.xlane v27, v0  }
0x19a: {  	v55 =	vld [tilespmem:s21+$0x8600]  }
0x19b: {  	v37 =	vld [tilespmem:s21+$0x8610];
	v27 =	vperm.xlane v27, v2;
	v36 =	vadd.s32 v1, v36  }
0x19c: {  	v38 =	vld [tilespmem:s21+$0x8620]  }
0x19d: {  	v39 =	vld [tilespmem:s21+$0x8630];
	v27 =	vadd.s32 v1, v27  }
0x19e: {  	v40 =	vld [tilespmem:s21+$0x8640]  }
0x19f: {  	s22 =	simm.s32 $0x0;
	s23 =	simm.s32 $0x8200;
	v41 =	vld [tilespmem:s21+$0x8650]  }
0x1a0: {  	v42 =	vld [tilespmem:s21+$0x8660];
	[tilespmem:s23], [sflag:$0x3] =	stream.indirect_vreg.gather [hbm4b:s2+s22], $0x80, v36, vm0, $0xb8  }
0x1a1: {  	_ = 	snop  }
0x1a2: {  	[tilespmem:s25], [sflag:$0x3] =	stream.indirect_vreg.gather [hbm4b:s2+s22], $0x80, v27, vm0, $0xb8;
	[tilespmem:$0x10300] =	vst v63  }
0x1a3: {  	v27 =	vld [tilespmem:$0x190];
	_ =	sdelay $0x4  }
0x1a4: {  	v56 =	vshll.u32 v27, $0x1  }
0x1a5: {  	v27 =	vand.u32 $0x7, v27;
	v36 =	vand.u32 $0xFFFFFFF0, v56  }
0x1a6: {  	v27 =	vor.u32 v27, v36  }
0x1a7: {  	v36 =	vperm.xlane v27, v0;
	_ =	sdelay $0x1  }
0x1a8: {  	v27 =	vperm.xlane v27, v2;
	v36 =	vadd.s32 v1, v36;
	_ =	sdelay $0x1  }
0x1a9: {  	v27 =	vadd.s32 v1, v27;
	_ =	sdelay $0x2  }
0x1aa: {  	[tilespmem:s26], [sflag:$0x3] =	stream.indirect_vreg.gather [hbm4b:s2+s22], $0x80, v36, vm0, $0xb8;
	[tilespmem:$0x10300] =	vst v63  }
0x1ab: {  	_ = 	snop  }
0x1ac: {  	[tilespmem:s28], [sflag:$0x3] =	stream.indirect_vreg.gather [hbm4b:s2+s22], $0x80, v27, vm0, $0xb8;
	[tilespmem:$0x10300] =	vst v63  }
0x1ad: {  	v27 =	vld [tilespmem:$0x1A0];
	_ =	sdelay $0x4  }
0x1ae: {  	v57 =	vshll.u32 v27, $0x1  }
0x1af: {  	v27 =	vand.u32 $0x7, v27;
	v36 =	vand.u32 $0xFFFFFFF0, v57  }
0x1b0: {  	v27 =	vor.u32 v27, v36  }
0x1b1: {  	v36 =	vperm.xlane v27, v0;
	_ =	sdelay $0x1  }
0x1b2: {  	v27 =	vperm.xlane v27, v2;
	v36 =	vadd.s32 v1, v36;
	_ =	sdelay $0x1  }
0x1b3: {  	v27 =	vadd.s32 v1, v27;
	_ =	sdelay $0x2  }
0x1b4: {  	[tilespmem:s29], [sflag:$0x3] =	stream.indirect_vreg.gather [hbm4b:s2+s22], $0x80, v36, vm0, $0xb8;
	[tilespmem:$0x10300] =	vst v63  }
0x1b5: {  	_ = 	snop  }
0x1b6: {  	[tilespmem:s30], [sflag:$0x3] =	stream.indirect_vreg.gather [hbm4b:s2+s22], $0x80, v27, vm0, $0xb8;
	[tilespmem:$0x10300] =	vst v63  }
0x1b7: {  	v27 =	vld [tilespmem:$0x1B0];
	_ =	sdelay $0x4  }
0x1b8: {  	v58 =	vshll.u32 v27, $0x1  }
0x1b9: {  	v27 =	vand.u32 $0x7, v27;
	v36 =	vand.u32 $0xFFFFFFF0, v58  }
0x1ba: {  	v27 =	vor.u32 v27, v36  }
0x1bb: {  	v36 =	vperm.xlane v27, v0;
	_ =	sdelay $0x1  }
0x1bc: {  	v27 =	vperm.xlane v27, v2;
	v36 =	vadd.s32 v1, v36;
	_ =	sdelay $0x1  }
0x1bd: {  	v27 =	vadd.s32 v1, v27;
	_ =	sdelay $0x2  }
0x1be: {  	[tilespmem:s31], [sflag:$0x3] =	stream.indirect_vreg.gather [hbm4b:s2+s22], $0x80, v36, vm0, $0xb8;
	[tilespmem:$0x10300] =	vst v63  }
0x1bf: {  	_ = 	snop  }
0x1c0: {  	[tilespmem:s0], [sflag:$0x3] =	stream.indirect_vreg.gather [hbm4b:s2+s22], $0x80, v27, vm0, $0xb8;
	[tilespmem:$0x10300] =	vst v63  }
0x1c1: {  	_ =	swait.ge [sflag:s18], $0x4000  }
0x1c2: {  	s24 =	sand.u32 $0x3800, s22;
	s20 =	sand.u32 $0x380, s22;
	[sflag:s18] =	ssyncset.done $0x0  }
0x1c3: {  	v14 =	vadd.f32 v19, v14;
	v15 =	vadd.f32 v20, v15;
	s20 =	sor.u32 s20, s24;
	[sflag:s18] =	ssyncadd.s32 $0xFFFFC000  }
0x1c4: {  	v3 =	vadd.f32 v21, v3;
	v4 =	vadd.f32 v22, v4;
	v19 =	vld [tilespmem:s20+$0xC670]  }
0x1c5: {  	v5 =	vadd.f32 v23, v5;
	v6 =	vadd.f32 v24, v6;
	v20 =	vld [tilespmem:s20+$0xC200]  }
0x1c6: {  	v7 =	vadd.f32 v25, v7;
	v8 =	vadd.f32 v26, v8;
	v21 =	vld [tilespmem:s20+$0xC210]  }
0x1c7: {  	v9 =	vadd.f32 v28, v9;
	v10 =	vadd.f32 v29, v10;
	v22 =	vld [tilespmem:s20+$0xC220]  }
0x1c8: {  	v11 =	vadd.f32 v30, v11;
	v12 =	vadd.f32 v31, v12;
	v23 =	vld [tilespmem:s20+$0xC230]  }
0x1c9: {  	v13 =	vadd.f32 v32, v13;
	v16 =	vadd.f32 v34, v16;
	v59 =	vld [tilespmem:s20+$0xC240]  }
0x1ca: {  	v17 =	vadd.f32 v35, v17;
	v18 =	vadd.f32 v55, v18;
	v60 =	vld [tilespmem:s20+$0xC250]  }
0x1cb: {  	v14 =	vadd.f32 v37, v14;
	v15 =	vadd.f32 v38, v15;
	v61 =	vld [tilespmem:s20+$0xC260]  }
0x1cc: {  	v3 =	vadd.f32 v39, v3;
	v4 =	vadd.f32 v40, v4;
	v62 =	vld [tilespmem:s20+$0xC270]  }
0x1cd: {  	v5 =	vadd.f32 v41, v5;
	v6 =	vadd.f32 v42, v6;
	v63 =	vld [tilespmem:s20+$0xC600]  }
0x1ce: {  	v7 =	vadd.f32 v19, v7;
	v8 =	vadd.f32 v20, v8;
	v19 =	vld [tilespmem:s20+$0xC610]  }
0x1cf: {  	v9 =	vadd.f32 v21, v9;
	v10 =	vadd.f32 v22, v10;
	v20 =	vld [tilespmem:s20+$0xC620]  }
0x1d0: {  	v11 =	vadd.f32 v23, v11;
	v12 =	vadd.f32 v59, v12;
	v21 =	vld [tilespmem:s20+$0xC630]  }
0x1d1: {  	s21 =	simm.s32 $0x80;
	s22 =	simm.s32 $0x100;
	v13 =	vadd.f32 v60, v13;
	v16 =	vadd.f32 v61, v16;
	v22 =	vld [tilespmem:s20+$0xC640]  }
0x1d2: {  	s24 =	sand.u32 $0x380, s21;
	s23 =	sand.u32 $0x3800, s22;
	s22 =	simm.s32 $0x200;
	v17 =	vadd.f32 v62, v17;
	v18 =	vadd.f32 v63, v18;
	v23 =	vld [tilespmem:s20+$0xC650]  }
.LBB2_8:
0x1d3: {  	p0 =	sne.s32 s22, $0x3F00;
	v14 =	vadd.f32 v19, v14;
	v19 =	vld [tilespmem:s20+$0xC660];
	s20 =	sor.u32 s24, s23  }
0x1d4: {  	v24 =	vld [tilespmem:s20+$0xC670];
	v15 =	vadd.f32 v20, v15  }
0x1d5: {  	v20 =	vld [tilespmem:s20+$0xC200];
	v3 =	vadd.f32 v21, v3  }
0x1d6: {  	v21 =	vld [tilespmem:s20+$0xC210];
	v4 =	vadd.f32 v22, v4  }
0x1d7: {  	v22 =	vld [tilespmem:s20+$0xC220];
	v5 =	vadd.f32 v23, v5  }
0x1d8: {  	v23 =	vld [tilespmem:s20+$0xC230];
	v6 =	vadd.f32 v19, v6  }
0x1d9: {  	v19 =	vld [tilespmem:s20+$0xC240];
	v7 =	vadd.f32 v24, v7  }
0x1da: {  	v8 =	vadd.f32 v20, v8;
	v20 =	vld [tilespmem:s20+$0xC250]  }
0x1db: {  	v9 =	vadd.f32 v21, v9;
	v21 =	vld [tilespmem:s20+$0xC260]  }
0x1dc: {  	v10 =	vadd.f32 v22, v10;
	v22 =	vld [tilespmem:s20+$0xC270]  }
0x1dd: {  	v11 =	vadd.f32 v23, v11;
	v23 =	vld [tilespmem:s20+$0xC600]  }
.Ltmp3:
0x1de: {  	v12 =	vadd.f32 v19, v12;
	v19 =	vld [tilespmem:s20+$0xC610];
	(pc) =	sbr.rel @p0 .LBB2_8-.Ltmp3, $4  }
0x1df: {  	v13 =	vadd.f32 v20, v13;
	v20 =	vld [tilespmem:s20+$0xC620]  }
0x1e0: {  	v16 =	vadd.f32 v21, v16;
	v21 =	vld [tilespmem:s20+$0xC630]  }
0x1e1: {  	s21 =	sadd.s32 $0x80, s21;
	v17 =	vadd.f32 v22, v17;
	v22 =	vld [tilespmem:s20+$0xC640]  }
0x1e2: {  	s23 =	sand.u32 $0x3800, s22;
	s22 =	sadd.s32 $0x100, s22;
	s24 =	sand.u32 $0x380, s21;
	v18 =	vadd.f32 v23, v18;
	v23 =	vld [tilespmem:s20+$0xC650]  }
0x1e3: {  	v24 =	vld [tilespmem:s20+$0xC660]  }
0x1e4: {  	s21 =	sor.u32 s24, s23;
	v27 =	vld [tilespmem:$0x1C0]  }
0x1e5: {  	v25 =	vld [tilespmem:s21+$0xC670]  }
0x1e6: {  	v26 =	vld [tilespmem:s21+$0xC200]  }
0x1e7: {  	v28 =	vld [tilespmem:s21+$0xC210]  }
0x1e8: {  	v29 =	vld [tilespmem:s21+$0xC220]  }
0x1e9: {  	v30 =	vld [tilespmem:s21+$0xC230]  }
0x1ea: {  	v31 =	vld [tilespmem:s21+$0xC240];
	v33 =	vshll.u32 v27, $0x1  }
0x1eb: {  	v32 =	vld [tilespmem:s21+$0xC250];
	v27 =	vand.u32 $0x7, v27;
	v33 =	vand.u32 $0xFFFFFFF0, v33  }
0x1ec: {  	v34 =	vld [tilespmem:s21+$0xC260];
	v27 =	vor.u32 v27, v33  }
0x1ed: {  	v35 =	vld [tilespmem:s21+$0xC270];
	v36 =	vperm.xlane v27, v0  }
0x1ee: {  	v55 =	vld [tilespmem:s21+$0xC600]  }
0x1ef: {  	v37 =	vld [tilespmem:s21+$0xC610];
	v27 =	vperm.xlane v27, v2;
	v36 =	vadd.s32 v1, v36  }
0x1f0: {  	v38 =	vld [tilespmem:s21+$0xC620]  }
0x1f1: {  	v39 =	vld [tilespmem:s21+$0xC630];
	v27 =	vadd.s32 v1, v27  }
0x1f2: {  	v40 =	vld [tilespmem:s21+$0xC640]  }
0x1f3: {  	s23 =	simm.s32 $0x0;
	v41 =	vld [tilespmem:s21+$0xC650]  }
0x1f4: {  	v42 =	vld [tilespmem:s21+$0xC660];
	[tilespmem:s1], [sflag:$0x4] =	stream.indirect_vreg.gather [hbm4b:s2+s23], $0x80, v36, vm0, $0xb8  }
0x1f5: {  	_ = 	snop  }
0x1f6: {  	[tilespmem:s8], [sflag:$0x4] =	stream.indirect_vreg.gather [hbm4b:s2+s23], $0x80, v27, vm0, $0xb8;
	[tilespmem:$0x10300] =	vst v63  }
0x1f7: {  	v27 =	vld [tilespmem:$0x1D0];
	_ =	sdelay $0x4  }
0x1f8: {  	v56 =	vshll.u32 v27, $0x1  }
0x1f9: {  	v27 =	vand.u32 $0x7, v27;
	v36 =	vand.u32 $0xFFFFFFF0, v56  }
0x1fa: {  	v27 =	vor.u32 v27, v36  }
0x1fb: {  	v36 =	vperm.xlane v27, v0;
	_ =	sdelay $0x1  }
0x1fc: {  	v27 =	vperm.xlane v27, v2;
	v36 =	vadd.s32 v1, v36;
	_ =	sdelay $0x1  }
0x1fd: {  	v27 =	vadd.s32 v1, v27;
	_ =	sdelay $0x2  }
0x1fe: {  	[tilespmem:s9], [sflag:$0x4] =	stream.indirect_vreg.gather [hbm4b:s2+s23], $0x80, v36, vm0, $0xb8;
	[tilespmem:$0x10300] =	vst v63  }
0x1ff: {  	_ = 	snop  }
0x200: {  	[tilespmem:s10], [sflag:$0x4] =	stream.indirect_vreg.gather [hbm4b:s2+s23], $0x80, v27, vm0, $0xb8;
	[tilespmem:$0x10300] =	vst v63  }
0x201: {  	v27 =	vld [tilespmem:$0x1E0];
	_ =	sdelay $0x4  }
0x202: {  	v57 =	vshll.u32 v27, $0x1  }
0x203: {  	v27 =	vand.u32 $0x7, v27;
	v36 =	vand.u32 $0xFFFFFFF0, v57  }
0x204: {  	v27 =	vor.u32 v27, v36  }
0x205: {  	v36 =	vperm.xlane v27, v0;
	_ =	sdelay $0x1  }
0x206: {  	v27 =	vperm.xlane v27, v2;
	v36 =	vadd.s32 v1, v36;
	_ =	sdelay $0x1  }
0x207: {  	v27 =	vadd.s32 v1, v27;
	_ =	sdelay $0x2  }
0x208: {  	[tilespmem:s11], [sflag:$0x4] =	stream.indirect_vreg.gather [hbm4b:s2+s23], $0x80, v36, vm0, $0xb8;
	[tilespmem:$0x10300] =	vst v63  }
0x209: {  	_ = 	snop  }
0x20a: {  	[tilespmem:s12], [sflag:$0x4] =	stream.indirect_vreg.gather [hbm4b:s2+s23], $0x80, v27, vm0, $0xb8;
	[tilespmem:$0x10300] =	vst v63  }
0x20b: {  	v27 =	vld [tilespmem:$0x1F0];
	_ =	sdelay $0x4  }
0x20c: {  	v58 =	vshll.u32 v27, $0x1  }
0x20d: {  	v27 =	vand.u32 $0x7, v27;
	v36 =	vand.u32 $0xFFFFFFF0, v58  }
0x20e: {  	v27 =	vor.u32 v27, v36  }
0x20f: {  	v36 =	vperm.xlane v27, v0;
	_ =	sdelay $0x1  }
0x210: {  	v27 =	vperm.xlane v27, v2;
	v36 =	vadd.s32 v1, v36;
	_ =	sdelay $0x1  }
0x211: {  	v27 =	vadd.s32 v1, v27;
	_ =	sdelay $0x2  }
0x212: {  	[tilespmem:s13], [sflag:$0x4] =	stream.indirect_vreg.gather [hbm4b:s2+s23], $0x80, v36, vm0, $0xb8;
	[tilespmem:$0x10300] =	vst v63  }
0x213: {  	_ = 	snop  }
0x214: {  	[tilespmem:s14], [sflag:$0x4] =	stream.indirect_vreg.gather [hbm4b:s2+s23], $0x80, v27, vm0, $0xb8;
	[tilespmem:$0x10300] =	vst v63  }
0x215: {  	_ =	swait.ge [sflag:s15], $0x4000  }
0x216: {  	s24 =	sand.u32 $0x3800, s23;
	s20 =	sand.u32 $0x380, s23;
	[sflag:s15] =	ssyncset.done $0x0  }
0x217: {  	v14 =	vadd.f32 v19, v14;
	v15 =	vadd.f32 v20, v15;
	s20 =	sor.u32 s20, s24;
	[sflag:s15] =	ssyncadd.s32 $0xFFFFC000  }
0x218: {  	v3 =	vadd.f32 v21, v3;
	v4 =	vadd.f32 v22, v4;
	v19 =	vld [tilespmem:s20+$0x670]  }
0x219: {  	v5 =	vadd.f32 v23, v5;
	v6 =	vadd.f32 v24, v6;
	v20 =	vld [tilespmem:s20+$0x200]  }
0x21a: {  	v7 =	vadd.f32 v25, v7;
	v8 =	vadd.f32 v26, v8;
	v21 =	vld [tilespmem:s20+$0x210]  }
0x21b: {  	v9 =	vadd.f32 v28, v9;
	v10 =	vadd.f32 v29, v10;
	v22 =	vld [tilespmem:s20+$0x220]  }
0x21c: {  	v11 =	vadd.f32 v30, v11;
	v12 =	vadd.f32 v31, v12;
	v23 =	vld [tilespmem:s20+$0x230]  }
0x21d: {  	v13 =	vadd.f32 v32, v13;
	v16 =	vadd.f32 v34, v16;
	v59 =	vld [tilespmem:s20+$0x240]  }
0x21e: {  	v17 =	vadd.f32 v35, v17;
	v18 =	vadd.f32 v55, v18;
	v60 =	vld [tilespmem:s20+$0x250]  }
0x21f: {  	v14 =	vadd.f32 v37, v14;
	v15 =	vadd.f32 v38, v15;
	v61 =	vld [tilespmem:s20+$0x260]  }
0x220: {  	v3 =	vadd.f32 v39, v3;
	v4 =	vadd.f32 v40, v4;
	v62 =	vld [tilespmem:s20+$0x270]  }
0x221: {  	v5 =	vadd.f32 v41, v5;
	v6 =	vadd.f32 v42, v6;
	v63 =	vld [tilespmem:s20+$0x600]  }
0x222: {  	v7 =	vadd.f32 v19, v7;
	v8 =	vadd.f32 v20, v8;
	v19 =	vld [tilespmem:s20+$0x610]  }
0x223: {  	v9 =	vadd.f32 v21, v9;
	v10 =	vadd.f32 v22, v10;
	v20 =	vld [tilespmem:s20+$0x620]  }
0x224: {  	v11 =	vadd.f32 v23, v11;
	v12 =	vadd.f32 v59, v12;
	v21 =	vld [tilespmem:s20+$0x630]  }
0x225: {  	s22 =	simm.s32 $0x100;
	s21 =	simm.s32 $0x80;
	v13 =	vadd.f32 v60, v13;
	v16 =	vadd.f32 v61, v16;
	v22 =	vld [tilespmem:s20+$0x640]  }
0x226: {  	s24 =	sand.u32 $0x380, s21;
	s23 =	sand.u32 $0x3800, s22;
	s22 =	simm.s32 $0x200;
	v17 =	vadd.f32 v62, v17;
	v18 =	vadd.f32 v63, v18;
	v23 =	vld [tilespmem:s20+$0x650]  }
.LBB2_10:
0x227: {  	p0 =	sne.s32 s22, $0x3F00;
	v14 =	vadd.f32 v19, v14;
	v19 =	vld [tilespmem:s20+$0x660];
	s20 =	sor.u32 s24, s23  }
0x228: {  	v24 =	vld [tilespmem:s20+$0x670];
	v15 =	vadd.f32 v20, v15  }
0x229: {  	v20 =	vld [tilespmem:s20+$0x200];
	v3 =	vadd.f32 v21, v3  }
0x22a: {  	v21 =	vld [tilespmem:s20+$0x210];
	v4 =	vadd.f32 v22, v4  }
0x22b: {  	v22 =	vld [tilespmem:s20+$0x220];
	v5 =	vadd.f32 v23, v5  }
0x22c: {  	v23 =	vld [tilespmem:s20+$0x230];
	v6 =	vadd.f32 v19, v6  }
0x22d: {  	v19 =	vld [tilespmem:s20+$0x240];
	v7 =	vadd.f32 v24, v7  }
0x22e: {  	v8 =	vadd.f32 v20, v8;
	v20 =	vld [tilespmem:s20+$0x250]  }
0x22f: {  	v9 =	vadd.f32 v21, v9;
	v21 =	vld [tilespmem:s20+$0x260]  }
0x230: {  	v10 =	vadd.f32 v22, v10;
	v22 =	vld [tilespmem:s20+$0x270]  }
0x231: {  	v11 =	vadd.f32 v23, v11;
	v23 =	vld [tilespmem:s20+$0x600]  }
.Ltmp4:
0x232: {  	v12 =	vadd.f32 v19, v12;
	v19 =	vld [tilespmem:s20+$0x610];
	(pc) =	sbr.rel @p0 .LBB2_10-.Ltmp4, $4  }
0x233: {  	v13 =	vadd.f32 v20, v13;
	v20 =	vld [tilespmem:s20+$0x620]  }
0x234: {  	v16 =	vadd.f32 v21, v16;
	v21 =	vld [tilespmem:s20+$0x630]  }
0x235: {  	s21 =	sadd.s32 $0x80, s21;
	v17 =	vadd.f32 v22, v17;
	v22 =	vld [tilespmem:s20+$0x640]  }
0x236: {  	s23 =	sand.u32 $0x3800, s22;
	s22 =	sadd.s32 $0x100, s22;
	s24 =	sand.u32 $0x380, s21;
	v18 =	vadd.f32 v23, v18;
	v23 =	vld [tilespmem:s20+$0x650]  }
0x237: {  	s21 =	sor.u32 s24, s23;
	v24 =	vld [tilespmem:s20+$0x660]  }
0x238: {  	v25 =	vld [tilespmem:s21+$0x670]  }
0x239: {  	v26 =	vld [tilespmem:s21+$0x200]  }
0x23a: {  	v27 =	vld [tilespmem:s21+$0x210]  }
0x23b: {  	v28 =	vld [tilespmem:s21+$0x220]  }
0x23c: {  	v29 =	vld [tilespmem:s21+$0x230]  }
0x23d: {  	v30 =	vld [tilespmem:s21+$0x240]  }
0x23e: {  	v31 =	vld [tilespmem:s21+$0x250]  }
0x23f: {  	v32 =	vld [tilespmem:s21+$0x260]  }
0x240: {  	v33 =	vld [tilespmem:s21+$0x270]  }
0x241: {  	v34 =	vld [tilespmem:s21+$0x600]  }
0x242: {  	v35 =	vld [tilespmem:s21+$0x610]  }
0x243: {  	v36 =	vld [tilespmem:s21+$0x620]  }
0x244: {  	v37 =	vld [tilespmem:s21+$0x630]  }
0x245: {  	v38 =	vld [tilespmem:s21+$0x640]  }
0x246: {  	v39 =	vld [tilespmem:s21+$0x650]  }
0x247: {  	s23 =	simm.s32 $0x0;
	v40 =	vld [tilespmem:s21+$0x660];
	_ =	swait.ge [sflag:s16], $0x4000  }
0x248: {  	s24 =	sand.u32 $0x3800, s23;
	s20 =	sand.u32 $0x380, s23;
	[sflag:s16] =	ssyncset.done $0x0  }
0x249: {  	v14 =	vadd.f32 v19, v14;
	v15 =	vadd.f32 v20, v15;
	s20 =	sor.u32 s20, s24;
	[sflag:s16] =	ssyncadd.s32 $0xFFFFC000  }
0x24a: {  	v3 =	vadd.f32 v21, v3;
	v4 =	vadd.f32 v22, v4;
	v19 =	vld [tilespmem:s20+$0x4670]  }
0x24b: {  	v5 =	vadd.f32 v23, v5;
	v20 =	vld [tilespmem:s20+$0x4200];
	v6 =	vadd.f32 v24, v6  }
0x24c: {  	v21 =	vld [tilespmem:s20+$0x4210];
	v7 =	vadd.f32 v25, v7;
	v8 =	vadd.f32 v26, v8  }
0x24d: {  	v22 =	vld [tilespmem:s20+$0x4220];
	v9 =	vadd.f32 v27, v9;
	v10 =	vadd.f32 v28, v10  }
0x24e: {  	v23 =	vld [tilespmem:s20+$0x4230];
	v11 =	vadd.f32 v29, v11;
	v12 =	vadd.f32 v30, v12  }
0x24f: {  	v59 =	vld [tilespmem:s20+$0x4240];
	v13 =	vadd.f32 v31, v13;
	v16 =	vadd.f32 v32, v16  }
0x250: {  	v60 =	vld [tilespmem:s20+$0x4250];
	v17 =	vadd.f32 v33, v17;
	v18 =	vadd.f32 v34, v18  }
0x251: {  	v61 =	vld [tilespmem:s20+$0x4260];
	v14 =	vadd.f32 v35, v14;
	v15 =	vadd.f32 v36, v15  }
0x252: {  	v62 =	vld [tilespmem:s20+$0x4270];
	v3 =	vadd.f32 v37, v3;
	v4 =	vadd.f32 v38, v4  }
0x253: {  	v63 =	vld [tilespmem:s20+$0x4600];
	v5 =	vadd.f32 v39, v5;
	v6 =	vadd.f32 v40, v6  }
0x254: {  	v7 =	vadd.f32 v19, v7;
	v8 =	vadd.f32 v20, v8;
	v19 =	vld [tilespmem:s20+$0x4610]  }
0x255: {  	v9 =	vadd.f32 v21, v9;
	v10 =	vadd.f32 v22, v10;
	v20 =	vld [tilespmem:s20+$0x4620]  }
0x256: {  	v11 =	vadd.f32 v23, v11;
	v12 =	vadd.f32 v59, v12;
	v21 =	vld [tilespmem:s20+$0x4630]  }
0x257: {  	s22 =	simm.s32 $0x100;
	s21 =	simm.s32 $0x80;
	v13 =	vadd.f32 v60, v13;
	v16 =	vadd.f32 v61, v16;
	v22 =	vld [tilespmem:s20+$0x4640]  }
0x258: {  	s23 =	sand.u32 $0x3800, s22;
	s22 =	simm.s32 $0x200;
	s24 =	sand.u32 $0x380, s21;
	v17 =	vadd.f32 v62, v17;
	v18 =	vadd.f32 v63, v18;
	v23 =	vld [tilespmem:s20+$0x4650]  }
.LBB2_12:
0x259: {  	p0 =	sne.s32 s22, $0x3F00;
	v14 =	vadd.f32 v19, v14;
	v19 =	vld [tilespmem:s20+$0x4660];
	s20 =	sor.u32 s24, s23  }
0x25a: {  	v24 =	vld [tilespmem:s20+$0x4670];
	v15 =	vadd.f32 v20, v15  }
0x25b: {  	v20 =	vld [tilespmem:s20+$0x4200];
	v3 =	vadd.f32 v21, v3  }
0x25c: {  	v21 =	vld [tilespmem:s20+$0x4210];
	v4 =	vadd.f32 v22, v4  }
0x25d: {  	v22 =	vld [tilespmem:s20+$0x4220];
	v5 =	vadd.f32 v23, v5  }
0x25e: {  	v23 =	vld [tilespmem:s20+$0x4230];
	v6 =	vadd.f32 v19, v6  }
0x25f: {  	v19 =	vld [tilespmem:s20+$0x4240];
	v7 =	vadd.f32 v24, v7  }
0x260: {  	v8 =	vadd.f32 v20, v8;
	v20 =	vld [tilespmem:s20+$0x4250]  }
0x261: {  	v9 =	vadd.f32 v21, v9;
	v21 =	vld [tilespmem:s20+$0x4260]  }
0x262: {  	v10 =	vadd.f32 v22, v10;
	v22 =	vld [tilespmem:s20+$0x4270]  }
0x263: {  	v11 =	vadd.f32 v23, v11;
	v23 =	vld [tilespmem:s20+$0x4600]  }
.Ltmp5:
0x264: {  	v12 =	vadd.f32 v19, v12;
	v19 =	vld [tilespmem:s20+$0x4610];
	(pc) =	sbr.rel @p0 .LBB2_12-.Ltmp5, $4  }
0x265: {  	v13 =	vadd.f32 v20, v13;
	v20 =	vld [tilespmem:s20+$0x4620]  }
0x266: {  	v16 =	vadd.f32 v21, v16;
	v21 =	vld [tilespmem:s20+$0x4630]  }
0x267: {  	s21 =	sadd.s32 $0x80, s21;
	v17 =	vadd.f32 v22, v17;
	v22 =	vld [tilespmem:s20+$0x4640]  }
0x268: {  	s23 =	sand.u32 $0x3800, s22;
	s22 =	sadd.s32 $0x100, s22;
	s24 =	sand.u32 $0x380, s21;
	v18 =	vadd.f32 v23, v18;
	v23 =	vld [tilespmem:s20+$0x4650]  }
0x269: {  	s21 =	sor.u32 s24, s23;
	v24 =	vld [tilespmem:s20+$0x4660]  }
0x26a: {  	v25 =	vld [tilespmem:s21+$0x4670]  }
0x26b: {  	v26 =	vld [tilespmem:s21+$0x4200]  }
0x26c: {  	v27 =	vld [tilespmem:s21+$0x4210]  }
0x26d: {  	v28 =	vld [tilespmem:s21+$0x4220]  }
0x26e: {  	v29 =	vld [tilespmem:s21+$0x4230]  }
0x26f: {  	v30 =	vld [tilespmem:s21+$0x4240]  }
0x270: {  	v31 =	vld [tilespmem:s21+$0x4250]  }
0x271: {  	v32 =	vld [tilespmem:s21+$0x4260]  }
0x272: {  	v33 =	vld [tilespmem:s21+$0x4270]  }
0x273: {  	v34 =	vld [tilespmem:s21+$0x4600]  }
0x274: {  	v35 =	vld [tilespmem:s21+$0x4610]  }
0x275: {  	v36 =	vld [tilespmem:s21+$0x4620]  }
0x276: {  	v37 =	vld [tilespmem:s21+$0x4630]  }
0x277: {  	v38 =	vld [tilespmem:s21+$0x4640]  }
0x278: {  	v39 =	vld [tilespmem:s21+$0x4650]  }
0x279: {  	s23 =	simm.s32 $0x0;
	v40 =	vld [tilespmem:s21+$0x4660];
	_ =	swait.ge [sflag:s17], $0x4000  }
0x27a: {  	s24 =	sand.u32 $0x3800, s23;
	s20 =	sand.u32 $0x380, s23;
	[sflag:s17] =	ssyncset.done $0x0  }
0x27b: {  	v14 =	vadd.f32 v19, v14;
	v15 =	vadd.f32 v20, v15;
	s20 =	sor.u32 s20, s24;
	[sflag:s17] =	ssyncadd.s32 $0xFFFFC000  }
0x27c: {  	v3 =	vadd.f32 v21, v3;
	v4 =	vadd.f32 v22, v4;
	v19 =	vld [tilespmem:s20+$0x8670]  }
0x27d: {  	v5 =	vadd.f32 v23, v5;
	v20 =	vld [tilespmem:s20+$0x8200];
	v6 =	vadd.f32 v24, v6  }
0x27e: {  	v21 =	vld [tilespmem:s20+$0x8210];
	v7 =	vadd.f32 v25, v7;
	v8 =	vadd.f32 v26, v8  }
0x27f: {  	v22 =	vld [tilespmem:s20+$0x8220];
	v9 =	vadd.f32 v27, v9;
	v10 =	vadd.f32 v28, v10  }
0x280: {  	v23 =	vld [tilespmem:s20+$0x8230];
	v11 =	vadd.f32 v29, v11;
	v12 =	vadd.f32 v30, v12  }
0x281: {  	v59 =	vld [tilespmem:s20+$0x8240];
	v13 =	vadd.f32 v31, v13;
	v16 =	vadd.f32 v32, v16  }
0x282: {  	v60 =	vld [tilespmem:s20+$0x8250];
	v17 =	vadd.f32 v33, v17;
	v18 =	vadd.f32 v34, v18  }
0x283: {  	v61 =	vld [tilespmem:s20+$0x8260];
	v14 =	vadd.f32 v35, v14;
	v15 =	vadd.f32 v36, v15  }
0x284: {  	v62 =	vld [tilespmem:s20+$0x8270];
	v3 =	vadd.f32 v37, v3;
	v4 =	vadd.f32 v38, v4  }
0x285: {  	v63 =	vld [tilespmem:s20+$0x8600];
	v5 =	vadd.f32 v39, v5;
	v6 =	vadd.f32 v40, v6  }
0x286: {  	v7 =	vadd.f32 v19, v7;
	v8 =	vadd.f32 v20, v8;
	v19 =	vld [tilespmem:s20+$0x8610]  }
0x287: {  	v9 =	vadd.f32 v21, v9;
	v10 =	vadd.f32 v22, v10;
	v20 =	vld [tilespmem:s20+$0x8620]  }
0x288: {  	v11 =	vadd.f32 v23, v11;
	v12 =	vadd.f32 v59, v12;
	v21 =	vld [tilespmem:s20+$0x8630]  }
0x289: {  	s22 =	simm.s32 $0x100;
	s21 =	simm.s32 $0x80;
	v13 =	vadd.f32 v60, v13;
	v16 =	vadd.f32 v61, v16;
	v22 =	vld [tilespmem:s20+$0x8640]  }
0x28a: {  	s23 =	sand.u32 $0x3800, s22;
	s22 =	simm.s32 $0x200;
	s24 =	sand.u32 $0x380, s21;
	v17 =	vadd.f32 v62, v17;
	v18 =	vadd.f32 v63, v18;
	v23 =	vld [tilespmem:s20+$0x8650]  }
.LBB2_14:
0x28b: {  	p0 =	sne.s32 s22, $0x3F00;
	v14 =	vadd.f32 v19, v14;
	v19 =	vld [tilespmem:s20+$0x8660];
	s20 =	sor.u32 s24, s23  }
0x28c: {  	v24 =	vld [tilespmem:s20+$0x8670];
	v15 =	vadd.f32 v20, v15  }
0x28d: {  	v20 =	vld [tilespmem:s20+$0x8200];
	v3 =	vadd.f32 v21, v3  }
0x28e: {  	v21 =	vld [tilespmem:s20+$0x8210];
	v4 =	vadd.f32 v22, v4  }
0x28f: {  	v22 =	vld [tilespmem:s20+$0x8220];
	v5 =	vadd.f32 v23, v5  }
0x290: {  	v23 =	vld [tilespmem:s20+$0x8230];
	v6 =	vadd.f32 v19, v6  }
0x291: {  	v19 =	vld [tilespmem:s20+$0x8240];
	v7 =	vadd.f32 v24, v7  }
0x292: {  	v8 =	vadd.f32 v20, v8;
	v20 =	vld [tilespmem:s20+$0x8250]  }
0x293: {  	v9 =	vadd.f32 v21, v9;
	v21 =	vld [tilespmem:s20+$0x8260]  }
0x294: {  	v10 =	vadd.f32 v22, v10;
	v22 =	vld [tilespmem:s20+$0x8270]  }
0x295: {  	v11 =	vadd.f32 v23, v11;
	v23 =	vld [tilespmem:s20+$0x8600]  }
.Ltmp6:
0x296: {  	v12 =	vadd.f32 v19, v12;
	v19 =	vld [tilespmem:s20+$0x8610];
	(pc) =	sbr.rel @p0 .LBB2_14-.Ltmp6, $4  }
0x297: {  	v13 =	vadd.f32 v20, v13;
	v20 =	vld [tilespmem:s20+$0x8620]  }
0x298: {  	v16 =	vadd.f32 v21, v16;
	v21 =	vld [tilespmem:s20+$0x8630]  }
0x299: {  	s21 =	sadd.s32 $0x80, s21;
	v17 =	vadd.f32 v22, v17;
	v22 =	vld [tilespmem:s20+$0x8640]  }
0x29a: {  	s23 =	sand.u32 $0x3800, s22;
	s22 =	sadd.s32 $0x100, s22;
	s24 =	sand.u32 $0x380, s21;
	v18 =	vadd.f32 v23, v18;
	v23 =	vld [tilespmem:s20+$0x8650]  }
0x29b: {  	s21 =	sor.u32 s24, s23;
	v24 =	vld [tilespmem:s20+$0x8660]  }
0x29c: {  	v25 =	vld [tilespmem:s21+$0x8670]  }
0x29d: {  	v26 =	vld [tilespmem:s21+$0x8200]  }
0x29e: {  	v27 =	vld [tilespmem:s21+$0x8210]  }
0x29f: {  	v28 =	vld [tilespmem:s21+$0x8220]  }
0x2a0: {  	v29 =	vld [tilespmem:s21+$0x8230]  }
0x2a1: {  	v30 =	vld [tilespmem:s21+$0x8240]  }
0x2a2: {  	v31 =	vld [tilespmem:s21+$0x8250]  }
0x2a3: {  	v32 =	vld [tilespmem:s21+$0x8260]  }
0x2a4: {  	v33 =	vld [tilespmem:s21+$0x8270]  }
0x2a5: {  	v34 =	vld [tilespmem:s21+$0x8600]  }
0x2a6: {  	v35 =	vld [tilespmem:s21+$0x8610]  }
0x2a7: {  	v36 =	vld [tilespmem:s21+$0x8620]  }
0x2a8: {  	v37 =	vld [tilespmem:s21+$0x8630]  }
0x2a9: {  	v38 =	vld [tilespmem:s21+$0x8640]  }
0x2aa: {  	v39 =	vld [tilespmem:s21+$0x8650]  }
0x2ab: {  	s23 =	simm.s32 $0x0;
	v40 =	vld [tilespmem:s21+$0x8660];
	_ =	swait.ge [sflag:s18], $0x4000  }
0x2ac: {  	s24 =	sand.u32 $0x3800, s23;
	s20 =	sand.u32 $0x380, s23;
	[sflag:s18] =	ssyncset.done $0x0  }
0x2ad: {  	v14 =	vadd.f32 v19, v14;
	v15 =	vadd.f32 v20, v15;
	s20 =	sor.u32 s20, s24;
	[sflag:s18] =	ssyncadd.s32 $0xFFFFC000  }
0x2ae: {  	v3 =	vadd.f32 v21, v3;
	v4 =	vadd.f32 v22, v4;
	v19 =	vld [tilespmem:s20+$0xC670]  }
0x2af: {  	v5 =	vadd.f32 v23, v5;
	v21 =	vld [tilespmem:s20+$0xC200];
	v20 =	vadd.f32 v24, v6  }
0x2b0: {  	v53 =	vld [tilespmem:s20+$0xC210];
	v22 =	vadd.f32 v25, v7;
	v23 =	vadd.f32 v26, v8  }
0x2b1: {  	v55 =	vld [tilespmem:s20+$0xC220];
	v54 =	vadd.f32 v27, v9;
	v10 =	vadd.f32 v28, v10  }
0x2b2: {  	v56 =	vld [tilespmem:s20+$0xC230];
	v11 =	vadd.f32 v29, v11;
	v12 =	vadd.f32 v30, v12  }
0x2b3: {  	v57 =	vld [tilespmem:s20+$0xC240];
	v13 =	vadd.f32 v31, v13;
	v16 =	vadd.f32 v32, v16  }
0x2b4: {  	v60 =	vld [tilespmem:s20+$0xC250];
	v58 =	vadd.f32 v33, v17;
	v59 =	vadd.f32 v34, v18  }
0x2b5: {  	v61 =	vld [tilespmem:s20+$0xC260];
	v9 =	vadd.f32 v35, v14;
	v8 =	vadd.f32 v36, v15  }
0x2b6: {  	v62 =	vld [tilespmem:s20+$0xC270];
	v7 =	vadd.f32 v37, v3;
	v6 =	vadd.f32 v38, v4  }
0x2b7: {  	v63 =	vld [tilespmem:s20+$0xC600];
	v5 =	vadd.f32 v39, v5;
	v4 =	vadd.f32 v40, v20  }
0x2b8: {  	v3 =	vadd.f32 v19, v22;
	v17 =	vadd.f32 v21, v23;
	v22 =	vld [tilespmem:s20+$0xC610]  }
0x2b9: {  	v18 =	vadd.f32 v53, v54;
	v14 =	vadd.f32 v55, v10;
	v19 =	vld [tilespmem:s20+$0xC620]  }
0x2ba: {  	v20 =	vld [tilespmem:s20+$0xC630];
	v15 =	vadd.f32 v56, v11;
	v10 =	vadd.f32 v57, v12  }
0x2bb: {  	s22 =	simm.s32 $0x100;
	s21 =	simm.s32 $0x80;
	v11 =	vadd.f32 v60, v13;
	v12 =	vadd.f32 v61, v16;
	v21 =	vld [tilespmem:s20+$0xC640]  }
0x2bc: {  	s23 =	sand.u32 $0x3800, s22;
	s22 =	simm.s32 $0x200;
	s24 =	sand.u32 $0x380, s21;
	v13 =	vadd.f32 v62, v58;
	v16 =	vadd.f32 v63, v59;
	v23 =	vld [tilespmem:s20+$0xC650]  }
.LBB2_16:
0x2bd: {  	p0 =	sne.s32 s22, $0x3F00;
	v9 =	vadd.f32 v22, v9;
	v22 =	vld [tilespmem:s20+$0xC660];
	s20 =	sor.u32 s24, s23  }
0x2be: {  	v24 =	vld [tilespmem:s20+$0xC670];
	v8 =	vadd.f32 v19, v8  }
0x2bf: {  	v19 =	vld [tilespmem:s20+$0xC200];
	v7 =	vadd.f32 v20, v7  }
0x2c0: {  	v20 =	vld [tilespmem:s20+$0xC210];
	v6 =	vadd.f32 v21, v6  }
0x2c1: {  	v21 =	vld [tilespmem:s20+$0xC220];
	v5 =	vadd.f32 v23, v5  }
0x2c2: {  	v23 =	vld [tilespmem:s20+$0xC230];
	v4 =	vadd.f32 v22, v4  }
0x2c3: {  	v22 =	vld [tilespmem:s20+$0xC240];
	v3 =	vadd.f32 v24, v3  }
0x2c4: {  	v17 =	vadd.f32 v19, v17;
	v19 =	vld [tilespmem:s20+$0xC250]  }
0x2c5: {  	v18 =	vadd.f32 v20, v18;
	v20 =	vld [tilespmem:s20+$0xC260]  }
0x2c6: {  	v14 =	vadd.f32 v21, v14;
	v21 =	vld [tilespmem:s20+$0xC270]  }
0x2c7: {  	v15 =	vadd.f32 v23, v15;
	v23 =	vld [tilespmem:s20+$0xC600]  }
.Ltmp7:
0x2c8: {  	v10 =	vadd.f32 v22, v10;
	v22 =	vld [tilespmem:s20+$0xC610];
	(pc) =	sbr.rel @p0 .LBB2_16-.Ltmp7, $4  }
0x2c9: {  	v11 =	vadd.f32 v19, v11;
	v19 =	vld [tilespmem:s20+$0xC620]  }
0x2ca: {  	v12 =	vadd.f32 v20, v12;
	v20 =	vld [tilespmem:s20+$0xC630]  }
0x2cb: {  	s21 =	sadd.s32 $0x80, s21;
	v13 =	vadd.f32 v21, v13;
	v21 =	vld [tilespmem:s20+$0xC640]  }
0x2cc: {  	s23 =	sand.u32 $0x3800, s22;
	s22 =	sadd.s32 $0x100, s22;
	s24 =	sand.u32 $0x380, s21;
	v16 =	vadd.f32 v23, v16;
	v23 =	vld [tilespmem:s20+$0xC650]  }
0x2cd: {  	s21 =	sor.u32 s24, s23;
	v24 =	vld [tilespmem:s20+$0xC660]  }
0x2ce: {  	v25 =	vld [tilespmem:s21+$0xC670]  }
0x2cf: {  	v26 =	vld [tilespmem:s21+$0xC200]  }
0x2d0: {  	v27 =	vld [tilespmem:s21+$0xC210]  }
0x2d1: {  	v28 =	vld [tilespmem:s21+$0xC220]  }
0x2d2: {  	v29 =	vld [tilespmem:s21+$0xC230]  }
0x2d3: {  	v30 =	vld [tilespmem:s21+$0xC240]  }
0x2d4: {  	v31 =	vld [tilespmem:s21+$0xC250]  }
0x2d5: {  	v32 =	vld [tilespmem:s21+$0xC260]  }
0x2d6: {  	v33 =	vld [tilespmem:s21+$0xC270]  }
0x2d7: {  	v34 =	vld [tilespmem:s21+$0xC600]  }
0x2d8: {  	v35 =	vld [tilespmem:s21+$0xC610]  }
0x2d9: {  	v36 =	vld [tilespmem:s21+$0xC620]  }
0x2da: {  	v37 =	vld [tilespmem:s21+$0xC630]  }
0x2db: {  	v38 =	vld [tilespmem:s21+$0xC640];
	v17 =	vadd.f32 v26, v17  }
0x2dc: {  	v60 =	vld [tilespmem:s21+$0xC650];
	v18 =	vadd.f32 v27, v18  }
0x2dd: {  	v61 =	vld [tilespmem:s21+$0xC660];
	v14 =	vadd.f32 v28, v14;
	[tilespmem:$0x10200] =	vst v17  }
0x2de: {  	v15 =	vadd.f32 v29, v15;
	[tilespmem:$0x10210] =	vst v18  }
0x2df: {  	v10 =	vadd.f32 v30, v10;
	[tilespmem:$0x10220] =	vst v14  }
0x2e0: {  	v11 =	vadd.f32 v31, v11;
	[tilespmem:$0x10230] =	vst v15  }
0x2e1: {  	v12 =	vadd.f32 v32, v12;
	[tilespmem:$0x10240] =	vst v10  }
0x2e2: {  	v9 =	vadd.f32 v22, v9;
	v62 =	vadd.f32 v33, v13;
	[tilespmem:$0x10250] =	vst v11  }
0x2e3: {  	v8 =	vadd.f32 v19, v8;
	v63 =	vadd.f32 v34, v16;
	[tilespmem:$0x10260] =	vst v12  }
0x2e4: {  	v7 =	vadd.f32 v20, v7;
	v9 =	vadd.f32 v35, v9;
	[tilespmem:$0x10270] =	vst v62  }
0x2e5: {  	v6 =	vadd.f32 v21, v6;
	v8 =	vadd.f32 v36, v8;
	[tilespmem:$0x10280] =	vst v63  }
0x2e6: {  	v5 =	vadd.f32 v23, v5;
	v7 =	vadd.f32 v37, v7;
	[tilespmem:$0x10290] =	vst v9  }
0x2e7: {  	v6 =	vadd.f32 v38, v6;
	[tilespmem:$0x102A0] =	vst v8  }
0x2e8: {  	v4 =	vadd.f32 v24, v4;
	v5 =	vadd.f32 v60, v5;
	[tilespmem:$0x102B0] =	vst v7  }
0x2e9: {  	v3 =	vadd.f32 v25, v3;
	[tilespmem:$0x102C0] =	vst v6  }
0x2ea: {  	s19 =	sadd.s32 $0x1, s19;
	v4 =	vadd.f32 v61, v4;
	[tilespmem:$0x102D0] =	vst v5  }
0x2eb: {  	s23 =	simm.s32 $0x80;
	p0 =	sne.s32 s19, s6;
	[tilespmem:$0x102F0] =	vst v3  }
.Ltmp8:
0x2ec: {  	s24 =	simm.s32 $0x400;
	s22 =	simm.s32 $0x10200;
	[tilespmem:$0x102E0] =	vst v4;
	(pc) =	sbr.rel @p0 .LBB2_1-.Ltmp8, $4  }
0x2ed: {  	[hbm4b:s5+s23] =	stream.strided.scatter [tilespmem:s22], [sflag:$0x5], $0x100, s24, s23, $0x38;
	[tilespmem:$0x10300] =	vst v63  }
0x2ee: {  	_ =	swait.ge [sflag:s7], $0x100  }
0x2ef: {  	[sflag:s7] =	ssyncset.done $0x0  }
0x2f0: {  	[sflag:s7] =	ssyncadd.s32 $0xFFFFFF00  }
0x2f1: {  	_ =	sfence.sel $0x180000  }
0x2f2: {  	[bflag:$0x0] =	sbarrier.arrive $0xFFFF  }
0x2f3: {  	_ =	strace $0x90000047  }
0x2f4: {  	s0 =	stileid.u32;
	[bflag:$0x2] =	sbarrier.arrive $0xFFFF  }
0x2f5: {  	p0 =	sne.s32 s0, $0x0;
	s0 =	rddreg [dreg:$0x3]  }
0x2f6: {  	s0 =	sadd.s32 @!p0 $0x100000, s0  }
0x2f7: {  	[sflag:s0] =	ssyncadd.tile.s32 @!p0 $0x1;
	_ =	shalt  }
.Lfunc_end2:
_tile_overlayer_lowered:
.L_overlay_start_2:
0x2f8: {  	(tag) =	ssettag $0x2  }
0x2f9: {  	s0 =	rddreg [dreg:$0x0];
	s2 =	stileid.u32  }
0x2fa: {  	s1 =	rddreg [dreg:$0x1];
	p0 =	sne.s32 s2, $0x0  }
0x2fb: {  	s3 =	rddreg [dreg:$0x2];
	[bflag:$0x3] =	sbarrier.arrive $0xFFFF;
	s2 =	simm.s32 @!p0 $0x1C05  }
0x2fc: {  	[timem:s3], [sflag:s2] =	dma.local @!p0 [hbm:s0], s1  }
0x2fd: {  	s0 =	simm.s32 @!p0 $0x5  }
0x2fe: {  	_ =	swait.ge @!p0 [sflag:s0], s1  }
0x2ff: {  	s1 =	ssub.s32 @!p0 $0x0, s1;
	[sflag:s0] =	ssyncset.done @!p0 $0x0  }
0x300: {  	[sflag:s0] =	ssyncadd.s32 @!p0 s1  }
0x301: {  	[bflag:$0x3] =	sbarrier.arrive $0xFFFF  }
0x302: {  	_ =	shalt  }

</sc_bundles>
